<compile_context>
chip_gen: v7x
topology: tpu7x:2x2x1
jax: 0.10.2.dev20260603
libtpu: 0.0.44.dev20260713+nightly
codegen_flags: <defaults>
</compile_context>

<pallas_src>
import math

import jax
import jax.numpy as jnp
from jax import lax
from jax.experimental import pallas as pl
from jax.experimental.pallas import tpu as pltpu
from jax.experimental.pallas import tpu_sc as plsc

N = 10000
E = 320000
H = 128
IND = 256
NR = 16
NH = 4
DH = 32
NC = 2
NS = 16
NW = NC * NS
NPAD = 10240
NROW = NPAD // NS
NDEN = 8 * NPAD
NDROW = NDEN // NS

GC = 80
GEPW = E // NW
GNCH = GEPW // GC

SC_C = 128
SEPW = 9984
SNCH = SEPW // SC_C
STAIL = E - NW * SEPW
STAILW = STAIL // SC_C

BE = 2560
BN = 2048


def _sc_mesh():
    return plsc.VectorSubcoreMesh(core_axis_name="c", subcore_axis_name="s")


def _gather_body(x_hbm, src_hbm, dst_hbm, hs_out, xd_out, idx_v, row_v, sem):
    c = lax.axis_index("c")
    s = lax.axis_index("s")
    base0 = (c * NS + s) * GEPW

    def step(j, carry):
        base = base0 + j * GC
        pltpu.sync_copy(src_hbm.at[pl.ds(base, GC)], idx_v)
        pltpu.async_copy(x_hbm.at[idx_v], row_v, sem).wait()
        pltpu.sync_copy(row_v, hs_out.at[pl.ds(base, GC)])
        pltpu.sync_copy(dst_hbm.at[pl.ds(base, GC)], idx_v)
        pltpu.async_copy(x_hbm.at[idx_v], row_v, sem).wait()
        pltpu.sync_copy(row_v, xd_out.at[pl.ds(base, GC)])
        return carry

    lax.fori_loop(0, GNCH, step, 0)


def _gather(x, src, dst):
    fn = pl.kernel(
        _gather_body,
        out_type=[
            jax.ShapeDtypeStruct((E, H), jnp.float32),
            jax.ShapeDtypeStruct((E, H), jnp.float32),
        ],
        mesh=_sc_mesh(),
        scratch_types=[
            pltpu.VMEM((GC,), jnp.int32),
            pltpu.VMEM((GC, H), jnp.float32),
            pltpu.SemaphoreType.DMA,
        ],
    )
    return fn(x, src, dst)


def _scatter_body(dst_hbm, pay_hbm, ew8_hbm, zero_hbm, zerod_hbm,
                  pval_out, pden_out, idx_v, idx4_v, pay_v, ew_v, ewrow_v,
                  acc_sh, accd_sh):
    c = lax.axis_index("c")
    s = lax.axis_index("s")
    wid = c * NS + s
    pltpu.sync_copy(zero_hbm, acc_sh.at[pl.ds(s * NROW, NROW)])
    pltpu.sync_copy(zerod_hbm, accd_sh.at[pl.ds(s * NDROW, NDROW)])
    plsc.subcore_barrier()

    def chunk(base):
        pltpu.sync_copy(dst_hbm.at[pl.ds(base, SC_C)], idx_v)
        pltpu.sync_copy(pay_hbm.at[pl.ds(base, SC_C)], pay_v)
        pltpu.sync_copy(ew8_hbm.at[:, pl.ds(base, SC_C)], ew_v)
        pltpu.sync_copy(pay_v, acc_sh.at[idx_v], add=True)
        for h in range(NH):
            def inner(g, carry):
                iv = idx_v[pl.ds(g * 16, 16)]
                idx4_v[pl.ds(g * 16, 16)] = iv + h * NPAD
                ewrow_v[pl.ds(g * 16, 16)] = ew_v[h, pl.ds(g * 16, 16)]
                return carry
            lax.fori_loop(0, SC_C // 16, inner, 0)
            pltpu.sync_copy(ewrow_v, accd_sh.at[idx4_v], add=True)

    def step(j, carry):
        chunk(wid * SEPW + j * SC_C)
        return carry

    lax.fori_loop(0, SNCH, step, 0)

    @pl.when(wid < STAILW)
    def _():
        chunk(NW * SEPW + wid * SC_C)

    plsc.subcore_barrier()
    pltpu.sync_copy(acc_sh.at[pl.ds(s * NROW, NROW)],
                    pval_out.at[c, pl.ds(s * NROW, NROW)])
    pltpu.sync_copy(accd_sh.at[pl.ds(s * NDROW, NDROW)],
                    pden_out.at[c, pl.ds(s * NDROW, NDROW)])


def _scatter(dst, pay, ew8, zero, zerod):
    fn = pl.kernel(
        _scatter_body,
        out_type=[
            jax.ShapeDtypeStruct((NC, NPAD, H), jnp.float32),
            jax.ShapeDtypeStruct((NC, NDEN), jnp.float32),
        ],
        mesh=_sc_mesh(),
        scratch_types=[
            pltpu.VMEM((SC_C,), jnp.int32),
            pltpu.VMEM((SC_C,), jnp.int32),
            pltpu.VMEM((SC_C, H), jnp.float32),
            pltpu.VMEM((8, SC_C), jnp.float32),
            pltpu.VMEM((SC_C,), jnp.float32),
            pltpu.VMEM_SHARED((NPAD, H), jnp.float32),
            pltpu.VMEM_SHARED((NDEN,), jnp.float32),
        ],
    )
    return fn(dst, pay, ew8, zero, zerod)


def _head_sel():
    r = lax.broadcasted_iota(jnp.int32, (H, NH), 0) // DH
    h = lax.broadcasted_iota(jnp.int32, (H, NH), 1)
    return (r == h).astype(jnp.float32)


def _edge_body(eid_ref, hs_ref, xd_ref, lnw_ref, lnb_ref, WAT_ref, bA_ref,
               WBT_ref, bB_ref, RV_ref, WqT_ref, WkT_ref, pay_ref, ew8_ref):
    hs = hs_ref[...]
    xd = xd_ref[...]
    eid = eid_ref[0, 0, :]
    onehot = (eid[:, None] ==
              lax.broadcasted_iota(jnp.int32, (1, NR), 1)).astype(jnp.float32)
    rel = jax.lax.dot_general(onehot, RV_ref[...], (((1,), (0,)), ((), ())),
                              precision=lax.Precision.HIGHEST)
    z = jnp.concatenate([hs, rel], axis=1)
    mu = jnp.mean(z, axis=1, keepdims=True)
    var = jnp.mean((z - mu) ** 2, axis=1, keepdims=True)
    z = (z - mu) * lax.rsqrt(var + 1e-5) * lnw_ref[...] + lnb_ref[...]
    a = jnp.dot(z, WAT_ref[...]) + bA_ref[...]
    a = jnp.where(a > 0, a, jnp.exp(jnp.minimum(a, 0.0)) - 1.0)
    dx = jnp.dot(a, WBT_ref[...]) + bB_ref[...]
    hs2 = hs + dx
    msg = jnp.concatenate([hs2, rel], axis=1)
    k = jnp.dot(msg, WkT_ref[...])
    qd = jnp.dot(xd, WqT_ref[...])
    sel = _head_sel()
    w4 = jax.lax.dot_general(qd * k, sel, (((1,), (0,)), ((), ())),
                             precision=lax.Precision.HIGHEST)
    ew4 = jnp.exp(w4 * (1.0 / math.sqrt(DH)))
    ewb = jax.lax.dot_general(ew4, sel.T, (((1,), (0,)), ((), ())),
                              precision=lax.Precision.HIGHEST)
    pay_ref[...] = ewb * hs2
    p84 = (lax.broadcasted_iota(jnp.int32, (8, NH), 0) ==
           lax.broadcasted_iota(jnp.int32, (8, NH), 1)).astype(jnp.float32)
    ew8_ref[...] = jax.lax.dot_general(p84, ew4, (((1,), (1,)), ((), ())),
                                       precision=lax.Precision.HIGHEST)


def _edge_call(eid3, hs, xd, lnw, lnb, WAT, bA, WBT, bB, RV, WqT, WkT):
    nb = E // BE
    full = lambda shape: pl.BlockSpec(shape, lambda i: (0,) * len(shape))
    return pl.pallas_call(
        _edge_body,
        grid=(nb,),
        in_specs=[
            pl.BlockSpec((1, 1, BE), lambda i: (i, 0, 0)),
            pl.BlockSpec((BE, H), lambda i: (i, 0)),
            pl.BlockSpec((BE, H), lambda i: (i, 0)),
            full((1, IND)), full((1, IND)),
            full((IND, H)), full((1, H)),
            full((H, H)), full((1, H)),
            full((NR, H)),
            full((H, H)), full((IND, H)),
        ],
        out_specs=[
            pl.BlockSpec((BE, H), lambda i: (i, 0)),
            pl.BlockSpec((8, BE), lambda i: (0, i)),
        ],
        out_shape=[
            jax.ShapeDtypeStruct((E, H), jnp.float32),
            jax.ShapeDtypeStruct((8, E), jnp.float32),
        ],
    )(eid3, hs, xd, lnw, lnb, WAT, bA, WBT, bB, RV, WqT, WkT)


def _final_body(x_ref, pval_ref, den_ref, lnw_ref, lnb_ref, out_ref):
    pv = pval_ref[0] + pval_ref[1]
    dsum = den_ref[...]
    t = ((lax.broadcasted_iota(jnp.int32, (NC * 8, H), 0) % 8) ==
         lax.broadcasted_iota(jnp.int32, (NC * 8, H), 1) // DH
         ).astype(jnp.float32)
    denb = jax.lax.dot_general(dsum, t, (((0,), (0,)), ((), ())),
                               precision=lax.Precision.HIGHEST)
    y = x_ref[...] + pv / (denb + 1e-9)
    mu = jnp.mean(y, axis=1, keepdims=True)
    var = jnp.mean((y - mu) ** 2, axis=1, keepdims=True)
    out_ref[...] = (y - mu) * lax.rsqrt(var + 1e-5) * lnw_ref[...] + lnb_ref[...]


def _final_call(x, pval, den_r, lnw, lnb):
    nb = NPAD // BN
    return pl.pallas_call(
        _final_body,
        grid=(nb,),
        in_specs=[
            pl.BlockSpec((BN, H), lambda i: (i, 0)),
            pl.BlockSpec((NC, BN, H), lambda i: (0, i, 0)),
            pl.BlockSpec((NC * 8, BN), lambda i: (0, i)),
            pl.BlockSpec((1, H), lambda i: (0, 0)),
            pl.BlockSpec((1, H), lambda i: (0, 0)),
        ],
        out_specs=pl.BlockSpec((BN, H), lambda i: (i, 0)),
        out_shape=jax.ShapeDtypeStruct((N, H), jnp.float32),
    )(x, pval, den_r, lnw, lnb)


def kernel(x, edge_index, edge_id, ln_w, ln_b, WA, bA, WB, bB, relvectors,
           Wq, Wk, lnatt_w, lnatt_b):
    eidx = edge_index.astype(jnp.int32)
    src_ids = eidx[0]
    dst_ids = eidx[1]
    hs, xd = _gather(x, src_ids, dst_ids)
    eid3 = edge_id.astype(jnp.int32).reshape(E // BE, 1, BE)
    pay, ew8 = _edge_call(
        eid3, hs, xd,
        ln_w.reshape(1, IND), ln_b.reshape(1, IND),
        WA.T, bA.reshape(1, H), WB.T, bB.reshape(1, H),
        relvectors, Wq.T, Wk.T)
    zero = jnp.zeros((NROW, H), jnp.float32)
    zerod = jnp.zeros((NDROW,), jnp.float32)
    pval, pden = _scatter(dst_ids, pay, ew8, zero, zerod)
    den_r = pden.reshape(NC * 8, NPAD)
    return _final_call(x, pval, den_r,
                       lnatt_w.reshape(1, H), lnatt_b.reshape(1, H))

# --- scband reference (transcript-rebuilt; emitter-appended) ---
"""Pipeline reference for scband-res-rgatcell-31877247271041 (READ-ONLY COPY).

The authoritative reference and input builder live on the scoring server;
editing this copy changes nothing except your own understanding.
"""

import jax, jax.numpy as jnp
import numpy as np
import math

N = 10000
E = 320000
HDIM = 128
RDIM = 128
NUMRELS = 16
NUMHEADS = 4
DH = HDIM // NUMHEADS


def _layernorm(x, w, b, eps=1e-5):
    mu = jnp.mean(x, axis=-1, keepdims=True)
    var = jnp.mean((x - mu) ** 2, axis=-1, keepdims=True)
    return (x - mu) / jnp.sqrt(var + eps) * w + b


def setup_inputs(seed: int = 0) -> dict:
    key = jax.random.key(seed)
    ks = jax.random.split(key, 14)
    indim = HDIM + RDIM
    inp = {}
    inp["x"] = jax.random.normal(ks[0], (N, HDIM), dtype=jnp.float32)
    inp["edge_index"] = jax.random.randint(ks[1], (2, E), 0, N)
    inp["edge_id"] = jax.random.randint(ks[2], (E,), 0, NUMRELS)
    # message-MLP params
    inp["ln_w"] = jnp.ones((indim,), dtype=jnp.float32)
    inp["ln_b"] = jnp.zeros((indim,), dtype=jnp.float32)
    inp["WA"] = jax.random.normal(ks[3], (HDIM, indim), dtype=jnp.float32) * (1.0 / math.sqrt(indim))
    inp["bA"] = jnp.zeros((HDIM,), dtype=jnp.float32)
    inp["WB"] = jax.random.normal(ks[4], (HDIM, HDIM), dtype=jnp.float32) * (1.0 / math.sqrt(HDIM))
    inp["bB"] = jnp.zeros((HDIM,), dtype=jnp.float32)
    inp["relvectors"] = jax.random.normal(ks[5], (NUMRELS, RDIM), dtype=jnp.float32) * (1.0 / math.sqrt(RDIM))
    # attention params (keydim = hdim + rdim because cat_rel=True; usevallin=False)
    inp["Wq"] = jax.random.normal(ks[6], (HDIM, HDIM), dtype=jnp.float32) * (1.0 / math.sqrt(HDIM))
    inp["Wk"] = jax.random.normal(ks[7], (HDIM, HDIM + RDIM), dtype=jnp.float32) * (1.0 / math.sqrt(HDIM + RDIM))
    inp["lnatt_w"] = jnp.ones((HDIM,), dtype=jnp.float32)
    inp["lnatt_b"] = jnp.zeros((HDIM,), dtype=jnp.float32)
    return inp


def reference(x, edge_index, edge_id, ln_w, ln_b, WA, bA, WB, bB, relvectors, Wq, Wk, lnatt_w, lnatt_b):
    src = edge_index[0]
    dst = edge_index[1]
    # ---- message_func (per edge) ----
    hs = jnp.take(x, src, axis=0)                      # gather src states [E, hdim]
    relvecs = jnp.take(relvectors, edge_id, axis=0)    # relation embedding gather [E, rdim]
    z = jnp.concatenate([hs, relvecs], axis=-1)        # [E, hdim+rdim]
    z = _layernorm(z, ln_w, ln_b)
    z = z @ WA.T + bA
    z = jax.nn.celu(z)
    dx = z @ WB.T + bB
    hs2 = hs + dx                                       # residual message value [E, hdim]
    msg = jnp.concatenate([hs2, relvecs], axis=-1)      # cat_rel key [E, hdim+rdim]
    # ---- reduce_func: multi-head attention over incoming edges per dst node ----
    q = x @ Wq.T                                        # [N, hdim]
    k = msg @ Wk.T                                      # [E, hdim]
    qh = q.reshape(N, NUMHEADS, DH)
    kh = k.reshape(E, NUMHEADS, DH)
    w = jnp.sum(jnp.take(qh, dst, axis=0) * kh, axis=-1) / math.sqrt(DH)   # [E, H]
    wmax = jax.ops.segment_max(w, dst, num_segments=N)
    w = w - jnp.take(wmax, dst, axis=0)
    ew = jnp.exp(w)
    denom = jax.ops.segment_sum(ew, dst, num_segments=N)
    alpha = ew / (jnp.take(denom, dst, axis=0) + 1e-9)                      # segment softmax [E, H]
    vh = hs2.reshape(E, NUMHEADS, DH)                   # usevallin=False -> raw values
    red = jax.ops.segment_sum(alpha[:, :, None] * vh, dst, num_segments=N)  # [N, H, DH]
    red = red.reshape(N, HDIM)
    # ---- residual update + layernorm (use_sgru=False, skipatt=False) ----
    h = x + red
    h = _layernorm(h, lnatt_w, lnatt_b)
    return h

if __name__ == "__main__":
    import jax
    _d = setup_inputs()
    print(jax.jit(kernel)(*tuple(_d.values())))

</pallas_src>

<mosaic_0001>
#map = affine_map<(d0, d1) -> (0, 0)>
#map1 = affine_map<(d0, d1) -> (0)>
module attributes {stable_mosaic.version = 14 : i64} {
  func.func @_gather_body(%arg0: i32, %arg1: i32, %arg2: memref<10000x128xf32, #tpu.memory_space<hbm>>, %arg3: memref<320000xi32, #tpu.memory_space<hbm>>, %arg4: memref<320000xi32, #tpu.memory_space<hbm>>, %arg5: memref<320000x128xf32, #tpu.memory_space<hbm>>, %arg6: memref<320000x128xf32, #tpu.memory_space<hbm>>, %arg7: memref<80xi32, #tpu.memory_space<vmem>>, %arg8: memref<80x128xf32, #tpu.memory_space<vmem>>, %arg9: memref<!tpu.dma_semaphore, #tpu.memory_space<semaphore_mem>>) attributes {dimension_semantics = [#tpu.dimension_semantics<core_parallel>, #tpu.dimension_semantics<subcore_parallel>], iteration_bounds = array<i64: 2, 16>, scalar_prefetch = 0 : i64, scratch_operands = 3 : i64, tpu.core_type = #tpu.core_type<sc_vector_subcore>, window_params = [{transform_indices = #map}, {transform_indices = #map1}, {transform_indices = #map1}, {transform_indices = #map}, {transform_indices = #map}]} {
    %mul3A = arith.constant 16 : i32
    %mul3A_0 = arith.muli %arg0, %mul3A : i32
    %add3A = arith.addi %mul3A_0, %arg1 : i32
    %mul3A_1 = arith.constant 10000 : i32
    %mul3A_2 = arith.muli %add3A, %mul3A_1 : i32
    %scan3A = arith.constant 0 : i32
    %scan3A_3 = arith.constant 0 : i32
    %scan3A_4 = arith.constant 125 : i32
    %scan3A_5 = arith.addi %scan3A_3, %scan3A_4 : i32
    %scan3A_6 = arith.constant 1 : i32
    scf.for %scan3A_8 = %scan3A_3 to %scan3A_5 step %scan3A_6  : i32 {
      %mul3A_9 = arith.constant 80 : i32
      %mul3A_10 = arith.muli %scan3A_8, %mul3A_9 : i32
      %add3A_11 = arith.addi %mul3A_2, %mul3A_10 : i32
      "tpu.region"() ({
        %run_scoped3A = tpu.sem_alloc : memref<!tpu.dma_semaphore, #tpu.memory_space<semaphore_mem>>
        %dma_start3A_22 = tpu.memref_slice %arg3[%add3A_11] : memref<320000xi32, #tpu.memory_space<hbm>> -> memref<80xi32, #tpu.memory_space<hbm>>
        %dma_start3A_23 = tpu.memref_slice %arg3[%add3A_11] : memref<320000xi32, #tpu.memory_space<hbm>> -> memref<80xi32, #tpu.memory_space<hbm>>
        tpu.enqueue_dma source(%dma_start3A_23 : memref<80xi32, #tpu.memory_space<hbm>>) target(%arg7 : memref<80xi32, #tpu.memory_space<vmem>>) target_semaphore(%run_scoped3A : memref<!tpu.dma_semaphore, #tpu.memory_space<semaphore_mem>>)
        %dma_wait3A_24 = tpu.memref_slice %arg3[%add3A_11] : memref<320000xi32, #tpu.memory_space<hbm>> -> memref<80xi32, #tpu.memory_space<hbm>>
        %dma_wait3A_25 = tpu.memref_slice %arg3[%add3A_11] : memref<320000xi32, #tpu.memory_space<hbm>> -> memref<80xi32, #tpu.memory_space<hbm>>
        tpu.wait_dma2 semaphore(%run_scoped3A : memref<!tpu.dma_semaphore, #tpu.memory_space<semaphore_mem>>) src(%dma_wait3A_25 : memref<80xi32, #tpu.memory_space<hbm>>) dst(%arg7 : memref<80xi32, #tpu.memory_space<vmem>>)
        tpu.yield
      }) : () -> ()
      %dma_start3A = arith.constant 0 : i32
      %dma_start3A_12 = arith.constant 0 : i32
      %dma_start3A_13 = tpu.memref_slice %arg2[%dma_start3A, %dma_start3A_12] : memref<10000x128xf32, #tpu.memory_space<hbm>> -> memref<10000x128xf32, #tpu.memory_space<hbm>>
      tpu.enqueue_indirect_dma source(%dma_start3A_13 : memref<10000x128xf32, #tpu.memory_space<hbm>>) target(%arg8 : memref<80x128xf32, #tpu.memory_space<vmem>>) offsets(%arg7 : memref<80xi32, #tpu.memory_space<vmem>>) semaphore(%arg9 : memref<!tpu.dma_semaphore, #tpu.memory_space<semaphore_mem>>)
      %dma_wait3A = arith.constant 0 : i32
      %dma_wait3A_14 = arith.constant 0 : i32
      %dma_wait3A_15 = tpu.memref_slice %arg2[%dma_wait3A, %dma_wait3A_14] : memref<10000x128xf32, #tpu.memory_space<hbm>> -> memref<10000x128xf32, #tpu.memory_space<hbm>>
      tpu.wait_indirect_dma semaphore(%arg9 : memref<!tpu.dma_semaphore, #tpu.memory_space<semaphore_mem>>) src(%dma_wait3A_15 : memref<10000x128xf32, #tpu.memory_space<hbm>>) dst(%arg8 : memref<80x128xf32, #tpu.memory_space<vmem>>)
      "tpu.region"() ({
        %run_scoped3A = tpu.sem_alloc : memref<!tpu.dma_semaphore, #tpu.memory_space<semaphore_mem>>
        %dma_start3A_22 = arith.constant 0 : i32
        %dma_start3A_23 = tpu.memref_slice %arg5[%add3A_11, %dma_start3A_22] : memref<320000x128xf32, #tpu.memory_space<hbm>> -> memref<80x128xf32, #tpu.memory_space<hbm>>
        %dma_start3A_24 = arith.constant 0 : i32
        %dma_start3A_25 = tpu.memref_slice %arg5[%add3A_11, %dma_start3A_24] : memref<320000x128xf32, #tpu.memory_space<hbm>> -> memref<80x128xf32, #tpu.memory_space<hbm>>
        tpu.enqueue_dma source(%arg8 : memref<80x128xf32, #tpu.memory_space<vmem>>) target(%dma_start3A_25 : memref<80x128xf32, #tpu.memory_space<hbm>>) target_semaphore(%run_scoped3A : memref<!tpu.dma_semaphore, #tpu.memory_space<semaphore_mem>>)
        %dma_wait3A_26 = arith.constant 0 : i32
        %dma_wait3A_27 = tpu.memref_slice %arg5[%add3A_11, %dma_wait3A_26] : memref<320000x128xf32, #tpu.memory_space<hbm>> -> memref<80x128xf32, #tpu.memory_space<hbm>>
        %dma_wait3A_28 = arith.constant 0 : i32
        %dma_wait3A_29 = tpu.memref_slice %arg5[%add3A_11, %dma_wait3A_28] : memref<320000x128xf32, #tpu.memory_space<hbm>> -> memref<80x128xf32, #tpu.memory_space<hbm>>
        tpu.wait_dma2 semaphore(%run_scoped3A : memref<!tpu.dma_semaphore, #tpu.memory_space<semaphore_mem>>) src(%arg8 : memref<80x128xf32, #tpu.memory_space<vmem>>) dst(%dma_wait3A_29 : memref<80x128xf32, #tpu.memory_space<hbm>>)
        tpu.yield
      }) : () -> ()
      "tpu.region"() ({
        %run_scoped3A = tpu.sem_alloc : memref<!tpu.dma_semaphore, #tpu.memory_space<semaphore_mem>>
        %dma_start3A_22 = tpu.memref_slice %arg4[%add3A_11] : memref<320000xi32, #tpu.memory_space<hbm>> -> memref<80xi32, #tpu.memory_space<hbm>>
        %dma_start3A_23 = tpu.memref_slice %arg4[%add3A_11] : memref<320000xi32, #tpu.memory_space<hbm>> -> memref<80xi32, #tpu.memory_space<hbm>>
        tpu.enqueue_dma source(%dma_start3A_23 : memref<80xi32, #tpu.memory_space<hbm>>) target(%arg7 : memref<80xi32, #tpu.memory_space<vmem>>) target_semaphore(%run_scoped3A : memref<!tpu.dma_semaphore, #tpu.memory_space<semaphore_mem>>)
        %dma_wait3A_24 = tpu.memref_slice %arg4[%add3A_11] : memref<320000xi32, #tpu.memory_space<hbm>> -> memref<80xi32, #tpu.memory_space<hbm>>
        %dma_wait3A_25 = tpu.memref_slice %arg4[%add3A_11] : memref<320000xi32, #tpu.memory_space<hbm>> -> memref<80xi32, #tpu.memory_space<hbm>>
        tpu.wait_dma2 semaphore(%run_scoped3A : memref<!tpu.dma_semaphore, #tpu.memory_space<semaphore_mem>>) src(%dma_wait3A_25 : memref<80xi32, #tpu.memory_space<hbm>>) dst(%arg7 : memref<80xi32, #tpu.memory_space<vmem>>)
        tpu.yield
      }) : () -> ()
      %dma_start3A_16 = arith.constant 0 : i32
      %dma_start3A_17 = arith.constant 0 : i32
      %dma_start3A_18 = tpu.memref_slice %arg2[%dma_start3A_16, %dma_start3A_17] : memref<10000x128xf32, #tpu.memory_space<hbm>> -> memref<10000x128xf32, #tpu.memory_space<hbm>>
      tpu.enqueue_indirect_dma source(%dma_start3A_18 : memref<10000x128xf32, #tpu.memory_space<hbm>>) target(%arg8 : memref<80x128xf32, #tpu.memory_space<vmem>>) offsets(%arg7 : memref<80xi32, #tpu.memory_space<vmem>>) semaphore(%arg9 : memref<!tpu.dma_semaphore, #tpu.memory_space<semaphore_mem>>)
      %dma_wait3A_19 = arith.constant 0 : i32
      %dma_wait3A_20 = arith.constant 0 : i32
      %dma_wait3A_21 = tpu.memref_slice %arg2[%dma_wait3A_19, %dma_wait3A_20] : memref<10000x128xf32, #tpu.memory_space<hbm>> -> memref<10000x128xf32, #tpu.memory_space<hbm>>
      tpu.wait_indirect_dma semaphore(%arg9 : memref<!tpu.dma_semaphore, #tpu.memory_space<semaphore_mem>>) src(%dma_wait3A_21 : memref<10000x128xf32, #tpu.memory_space<hbm>>) dst(%arg8 : memref<80x128xf32, #tpu.memory_space<vmem>>)
      "tpu.region"() ({
        %run_scoped3A = tpu.sem_alloc : memref<!tpu.dma_semaphore, #tpu.memory_space<semaphore_mem>>
        %dma_start3A_22 = arith.constant 0 : i32
        %dma_start3A_23 = tpu.memref_slice %arg6[%add3A_11, %dma_start3A_22] : memref<320000x128xf32, #tpu.memory_space<hbm>> -> memref<80x128xf32, #tpu.memory_space<hbm>>
        %dma_start3A_24 = arith.constant 0 : i32
        %dma_start3A_25 = tpu.memref_slice %arg6[%add3A_11, %dma_start3A_24] : memref<320000x128xf32, #tpu.memory_space<hbm>> -> memref<80x128xf32, #tpu.memory_space<hbm>>
        tpu.enqueue_dma source(%arg8 : memref<80x128xf32, #tpu.memory_space<vmem>>) target(%dma_start3A_25 : memref<80x128xf32, #tpu.memory_space<hbm>>) target_semaphore(%run_scoped3A : memref<!tpu.dma_semaphore, #tpu.memory_space<semaphore_mem>>)
        %dma_wait3A_26 = arith.constant 0 : i32
        %dma_wait3A_27 = tpu.memref_slice %arg6[%add3A_11, %dma_wait3A_26] : memref<320000x128xf32, #tpu.memory_space<hbm>> -> memref<80x128xf32, #tpu.memory_space<hbm>>
        %dma_wait3A_28 = arith.constant 0 : i32
        %dma_wait3A_29 = tpu.memref_slice %arg6[%add3A_11, %dma_wait3A_28] : memref<320000x128xf32, #tpu.memory_space<hbm>> -> memref<80x128xf32, #tpu.memory_space<hbm>>
        tpu.wait_dma2 semaphore(%run_scoped3A : memref<!tpu.dma_semaphore, #tpu.memory_space<semaphore_mem>>) src(%arg8 : memref<80x128xf32, #tpu.memory_space<vmem>>) dst(%dma_wait3A_29 : memref<80x128xf32, #tpu.memory_space<hbm>>)
        tpu.yield
      }) : () -> ()
    }
    %scan3A_7 = arith.constant 125 : i32
    return
  }
}

#map = affine_map<(d0, d1) -> (0)>
#map1 = affine_map<(d0, d1) -> (0, 0)>
#map2 = affine_map<(d0, d1) -> (0, 0, 0)>
module attributes {stable_mosaic.version = 14 : i64} {
  func.func @_scatter_body(%arg0: i32, %arg1: i32, %arg2: memref<320000xi32, #tpu.memory_space<hbm>>, %arg3: memref<320000x128xf32, #tpu.memory_space<hbm>>, %arg4: memref<8x320000xf32, #tpu.memory_space<hbm>>, %arg5: memref<640x128xf32, #tpu.memory_space<hbm>>, %arg6: memref<5120xf32, #tpu.memory_space<hbm>>, %arg7: memref<2x10240x128xf32, #tpu.memory_space<hbm>>, %arg8: memref<2x81920xf32, #tpu.memory_space<hbm>>, %arg9: memref<128xi32, #tpu.memory_space<vmem>>, %arg10: memref<128xi32, #tpu.memory_space<vmem>>, %arg11: memref<128x128xf32, #tpu.memory_space<vmem>>, %arg12: memref<8x128xf32, #tpu.memory_space<vmem>>, %arg13: memref<128xf32, #tpu.memory_space<vmem>>, %arg14: memref<10240x128xf32, #tpu.memory_space<vmem_shared>>, %arg15: memref<81920xf32, #tpu.memory_space<vmem_shared>>) attributes {dimension_semantics = [#tpu.dimension_semantics<core_parallel>, #tpu.dimension_semantics<subcore_parallel>], iteration_bounds = array<i64: 2, 16>, scalar_prefetch = 0 : i64, scratch_operands = 7 : i64, tpu.core_type = #tpu.core_type<sc_vector_subcore>, window_params = [{transform_indices = #map}, {transform_indices = #map1}, {transform_indices = #map1}, {transform_indices = #map1}, {transform_indices = #map}, {transform_indices = #map2}, {transform_indices = #map1}]} {
    %mul3A = arith.constant 16 : i32
    %mul3A_0 = arith.muli %arg0, %mul3A : i32
    %add3A = arith.addi %mul3A_0, %arg1 : i32
    %mul3A_1 = arith.constant 640 : i32
    %mul3A_2 = arith.muli %arg1, %mul3A_1 : i32
    "tpu.region"() ({
      %run_scoped3A = tpu.sem_alloc : memref<!tpu.dma_semaphore, #tpu.memory_space<semaphore_mem>>
      %dma_start3A = arith.constant 0 : i32
      %dma_start3A_21 = tpu.memref_slice %arg14[%mul3A_2, %dma_start3A] : memref<10240x128xf32, #tpu.memory_space<vmem_shared>> -> memref<640x128xf32, #tpu.memory_space<vmem_shared>>
      tpu.enqueue_dma source(%arg5 : memref<640x128xf32, #tpu.memory_space<hbm>>) target(%dma_start3A_21 : memref<640x128xf32, #tpu.memory_space<vmem_shared>>) target_semaphore(%run_scoped3A : memref<!tpu.dma_semaphore, #tpu.memory_space<semaphore_mem>>)
      %dma_wait3A = arith.constant 0 : i32
      %dma_wait3A_22 = tpu.memref_slice %arg14[%mul3A_2, %dma_wait3A] : memref<10240x128xf32, #tpu.memory_space<vmem_shared>> -> memref<640x128xf32, #tpu.memory_space<vmem_shared>>
      tpu.wait_dma2 semaphore(%run_scoped3A : memref<!tpu.dma_semaphore, #tpu.memory_space<semaphore_mem>>) src(%arg5 : memref<640x128xf32, #tpu.memory_space<hbm>>) dst(%dma_wait3A_22 : memref<640x128xf32, #tpu.memory_space<vmem_shared>>)
      tpu.yield
    }) : () -> ()
    %mul3A_3 = arith.constant 5120 : i32
    %mul3A_4 = arith.muli %arg1, %mul3A_3 : i32
    "tpu.region"() ({
      %run_scoped3A = tpu.sem_alloc : memref<!tpu.dma_semaphore, #tpu.memory_space<semaphore_mem>>
      %dma_start3A = tpu.memref_slice %arg15[%mul3A_4] : memref<81920xf32, #tpu.memory_space<vmem_shared>> -> memref<5120xf32, #tpu.memory_space<vmem_shared>>
      tpu.enqueue_dma source(%arg6 : memref<5120xf32, #tpu.memory_space<hbm>>) target(%dma_start3A : memref<5120xf32, #tpu.memory_space<vmem_shared>>) target_semaphore(%run_scoped3A : memref<!tpu.dma_semaphore, #tpu.memory_space<semaphore_mem>>)
      %dma_wait3A = tpu.memref_slice %arg15[%mul3A_4] : memref<81920xf32, #tpu.memory_space<vmem_shared>> -> memref<5120xf32, #tpu.memory_space<vmem_shared>>
      tpu.wait_dma2 semaphore(%run_scoped3A : memref<!tpu.dma_semaphore, #tpu.memory_space<semaphore_mem>>) src(%arg6 : memref<5120xf32, #tpu.memory_space<hbm>>) dst(%dma_wait3A : memref<5120xf32, #tpu.memory_space<vmem_shared>>)
      tpu.yield
    }) : () -> ()
    %barrier3A = arith.constant 0 : index
    tpu.barrier barrier_id(%barrier3A)
    %scan3A = arith.constant 0 : i32
    %scan3A_5 = arith.constant 0 : i32
    %scan3A_6 = arith.constant 78 : i32
    %scan3A_7 = arith.addi %scan3A_5, %scan3A_6 : i32
    %scan3A_8 = arith.constant 1 : i32
    scf.for %scan3A_21 = %scan3A_5 to %scan3A_7 step %scan3A_8  : i32 {
      %mul3A_22 = arith.constant 9984 : i32
      %mul3A_23 = arith.muli %add3A, %mul3A_22 : i32
      %mul3A_24 = arith.constant 128 : i32
      %mul3A_25 = arith.muli %scan3A_21, %mul3A_24 : i32
      %add3A_26 = arith.addi %mul3A_23, %mul3A_25 : i32
      "tpu.region"() ({
        %run_scoped3A = tpu.sem_alloc : memref<!tpu.dma_semaphore, #tpu.memory_space<semaphore_mem>>
        %dma_start3A = tpu.memref_slice %arg2[%add3A_26] : memref<320000xi32, #tpu.memory_space<hbm>> -> memref<128xi32, #tpu.memory_space<hbm>>
        %dma_start3A_51 = tpu.memref_slice %arg2[%add3A_26] : memref<320000xi32, #tpu.memory_space<hbm>> -> memref<128xi32, #tpu.memory_space<hbm>>
        tpu.enqueue_dma source(%dma_start3A_51 : memref<128xi32, #tpu.memory_space<hbm>>) target(%arg9 : memref<128xi32, #tpu.memory_space<vmem>>) target_semaphore(%run_scoped3A : memref<!tpu.dma_semaphore, #tpu.memory_space<semaphore_mem>>)
        %dma_wait3A = tpu.memref_slice %arg2[%add3A_26] : memref<320000xi32, #tpu.memory_space<hbm>> -> memref<128xi32, #tpu.memory_space<hbm>>
        %dma_wait3A_52 = tpu.memref_slice %arg2[%add3A_26] : memref<320000xi32, #tpu.memory_space<hbm>> -> memref<128xi32, #tpu.memory_space<hbm>>
        tpu.wait_dma2 semaphore(%run_scoped3A : memref<!tpu.dma_semaphore, #tpu.memory_space<semaphore_mem>>) src(%dma_wait3A_52 : memref<128xi32, #tpu.memory_space<hbm>>) dst(%arg9 : memref<128xi32, #tpu.memory_space<vmem>>)
        tpu.yield
      }) : () -> ()
      "tpu.region"() ({
        %run_scoped3A = tpu.sem_alloc : memref<!tpu.dma_semaphore, #tpu.memory_space<semaphore_mem>>
        %dma_start3A = arith.constant 0 : i32
        %dma_start3A_51 = tpu.memref_slice %arg3[%add3A_26, %dma_start3A] : memref<320000x128xf32, #tpu.memory_space<hbm>> -> memref<128x128xf32, #tpu.memory_space<hbm>>
        %dma_start3A_52 = arith.constant 0 : i32
        %dma_start3A_53 = tpu.memref_slice %arg3[%add3A_26, %dma_start3A_52] : memref<320000x128xf32, #tpu.memory_space<hbm>> -> memref<128x128xf32, #tpu.memory_space<hbm>>
        tpu.enqueue_dma source(%dma_start3A_53 : memref<128x128xf32, #tpu.memory_space<hbm>>) target(%arg11 : memref<128x128xf32, #tpu.memory_space<vmem>>) target_semaphore(%run_scoped3A : memref<!tpu.dma_semaphore, #tpu.memory_space<semaphore_mem>>)
        %dma_wait3A = arith.constant 0 : i32
        %dma_wait3A_54 = tpu.memref_slice %arg3[%add3A_26, %dma_wait3A] : memref<320000x128xf32, #tpu.memory_space<hbm>> -> memref<128x128xf32, #tpu.memory_space<hbm>>
        %dma_wait3A_55 = arith.constant 0 : i32
        %dma_wait3A_56 = tpu.memref_slice %arg3[%add3A_26, %dma_wait3A_55] : memref<320000x128xf32, #tpu.memory_space<hbm>> -> memref<128x128xf32, #tpu.memory_space<hbm>>
        tpu.wait_dma2 semaphore(%run_scoped3A : memref<!tpu.dma_semaphore, #tpu.memory_space<semaphore_mem>>) src(%dma_wait3A_56 : memref<128x128xf32, #tpu.memory_space<hbm>>) dst(%arg11 : memref<128x128xf32, #tpu.memory_space<vmem>>)
        tpu.yield
      }) : () -> ()
      "tpu.region"() ({
        %run_scoped3A = tpu.sem_alloc : memref<!tpu.dma_semaphore, #tpu.memory_space<semaphore_mem>>
        %dma_start3A = arith.constant 0 : i32
        %dma_start3A_51 = tpu.memref_slice %arg4[%dma_start3A, %add3A_26] : memref<8x320000xf32, #tpu.memory_space<hbm>> -> memref<8x128xf32, #tpu.memory_space<hbm>>
        %dma_start3A_52 = arith.constant 0 : i32
        %dma_start3A_53 = tpu.memref_slice %arg4[%dma_start3A_52, %add3A_26] : memref<8x320000xf32, #tpu.memory_space<hbm>> -> memref<8x128xf32, #tpu.memory_space<hbm>>
        tpu.enqueue_dma source(%dma_start3A_53 : memref<8x128xf32, #tpu.memory_space<hbm>>) target(%arg12 : memref<8x128xf32, #tpu.memory_space<vmem>>) target_semaphore(%run_scoped3A : memref<!tpu.dma_semaphore, #tpu.memory_space<semaphore_mem>>)
        %dma_wait3A = arith.constant 0 : i32
        %dma_wait3A_54 = tpu.memref_slice %arg4[%dma_wait3A, %add3A_26] : memref<8x320000xf32, #tpu.memory_space<hbm>> -> memref<8x128xf32, #tpu.memory_space<hbm>>
        %dma_wait3A_55 = arith.constant 0 : i32
        %dma_wait3A_56 = tpu.memref_slice %arg4[%dma_wait3A_55, %add3A_26] : memref<8x320000xf32, #tpu.memory_space<hbm>> -> memref<8x128xf32, #tpu.memory_space<hbm>>
        tpu.wait_dma2 semaphore(%run_scoped3A : memref<!tpu.dma_semaphore, #tpu.memory_space<semaphore_mem>>) src(%dma_wait3A_56 : memref<8x128xf32, #tpu.memory_space<hbm>>) dst(%arg12 : memref<8x128xf32, #tpu.memory_space<vmem>>)
        tpu.yield
      }) : () -> ()
      "tpu.region"() ({
        %run_scoped3A = tpu.sem_alloc : memref<!tpu.dma_semaphore, #tpu.memory_space<semaphore_mem>>
        %dma_start3A = arith.constant 0 : i32
        %dma_start3A_51 = arith.constant 0 : i32
        %dma_start3A_52 = tpu.memref_slice %arg14[%dma_start3A, %dma_start3A_51] : memref<10240x128xf32, #tpu.memory_space<vmem_shared>> -> memref<10240x128xf32, #tpu.memory_space<vmem_shared>>
        tpu.enqueue_indirect_dma source(%arg11 : memref<128x128xf32, #tpu.memory_space<vmem>>) target(%dma_start3A_52 : memref<10240x128xf32, #tpu.memory_space<vmem_shared>>) offsets(%arg9 : memref<128xi32, #tpu.memory_space<vmem>>) semaphore(%run_scoped3A : memref<!tpu.dma_semaphore, #tpu.memory_space<semaphore_mem>>) {add = true}
        %dma_wait3A = arith.constant 0 : i32
        %dma_wait3A_53 = arith.constant 0 : i32
        %dma_wait3A_54 = tpu.memref_slice %arg14[%dma_wait3A, %dma_wait3A_53] : memref<10240x128xf32, #tpu.memory_space<vmem_shared>> -> memref<10240x128xf32, #tpu.memory_space<vmem_shared>>
        tpu.wait_indirect_dma semaphore(%run_scoped3A : memref<!tpu.dma_semaphore, #tpu.memory_space<semaphore_mem>>) src(%arg11 : memref<128x128xf32, #tpu.memory_space<vmem>>) dst(%dma_wait3A_54 : memref<10240x128xf32, #tpu.memory_space<vmem_shared>>)
        tpu.yield
      }) : () -> ()
      %scan3A_27 = arith.constant 0 : i32
      %scan3A_28 = arith.constant 0 : i32
      %scan3A_29 = arith.constant 8 : i32
      %scan3A_30 = arith.addi %scan3A_28, %scan3A_29 : i32
      %scan3A_31 = arith.constant 1 : i32
      scf.for %scan3A_51 = %scan3A_28 to %scan3A_30 step %scan3A_31  : i32 {
        %mul3A_52 = arith.constant 16 : i32
        %mul3A_53 = arith.muli %scan3A_51, %mul3A_52 : i32
        %get3A = arith.index_cast %mul3A_53 : i32 to index
        %get3A_54 = tpu.vector_load %arg9[%get3A] {strides = array<i32>} : memref<128xi32, #tpu.memory_space<vmem>>, vector<16xi32>,
        %get3A_55 = vector.shape_cast %get3A_54 : vector<16xi32> to vector<16xi32>
        %add3A_56 = arith.constant 0 : i32
        %add3A_57 = vector.broadcast %add3A_56 : i32 to vector<16xi32>
        %add3A_58 = arith.addi %get3A_55, %add3A_57 : vector<16xi32>
        %mul3A_59 = arith.constant 16 : i32
        %mul3A_60 = arith.muli %scan3A_51, %mul3A_59 : i32
        %swap3A = arith.index_cast %mul3A_60 : i32 to index
        %swap3A_61 = tpu.vector_load %arg10[%swap3A] {strides = array<i32>} : memref<128xi32, #tpu.memory_space<vmem>>, vector<16xi32>,
        %swap3A_62 = vector.shape_cast %swap3A_61 : vector<16xi32> to vector<16xi32>
        %swap3A_63 = vector.shape_cast %add3A_58 : vector<16xi32> to vector<16xi32>
        tpu.vector_store %arg10[%swap3A], %swap3A_63 {strides = array<i32>} : memref<128xi32, #tpu.memory_space<vmem>>, vector<16xi32>,
        %mul3A_64 = arith.constant 16 : i32
        %mul3A_65 = arith.muli %scan3A_51, %mul3A_64 : i32
        %get3A_66 = arith.constant 0 : i32
        %get3A_67 = arith.index_cast %get3A_66 : i32 to index
        %get3A_68 = arith.index_cast %mul3A_65 : i32 to index
        %get3A_69 = tpu.vector_load %arg12[%get3A_67, %get3A_68] {strides = array<i32>} : memref<8x128xf32, #tpu.memory_space<vmem>>, vector<1x16xf32>,
        %get3A_70 = vector.shape_cast %get3A_69 : vector<1x16xf32> to vector<16xf32>
        %mul3A_71 = arith.constant 16 : i32
        %mul3A_72 = arith.muli %scan3A_51, %mul3A_71 : i32
        %swap3A_73 = arith.index_cast %mul3A_72 : i32 to index
        %swap3A_74 = tpu.vector_load %arg13[%swap3A_73] {strides = array<i32>} : memref<128xf32, #tpu.memory_space<vmem>>, vector<16xf32>,
        %swap3A_75 = vector.shape_cast %swap3A_74 : vector<16xf32> to vector<16xf32>
        %swap3A_76 = vector.shape_cast %get3A_70 : vector<16xf32> to vector<16xf32>
        tpu.vector_store %arg13[%swap3A_73], %swap3A_76 {strides = array<i32>} : memref<128xf32, #tpu.memory_space<vmem>>, vector<16xf32>,
      }
      %scan3A_32 = arith.constant 8 : i32
      "tpu.region"() ({
        %run_scoped3A = tpu.sem_alloc : memref<!tpu.dma_semaphore, #tpu.memory_space<semaphore_mem>>
        %dma_start3A = arith.constant 0 : i32
        %dma_start3A_51 = tpu.memref_slice %arg15[%dma_start3A] : memref<81920xf32, #tpu.memory_space<vmem_shared>> -> memref<81920xf32, #tpu.memory_space<vmem_shared>>
        tpu.enqueue_indirect_dma source(%arg13 : memref<128xf32, #tpu.memory_space<vmem>>) target(%dma_start3A_51 : memref<81920xf32, #tpu.memory_space<vmem_shared>>) offsets(%arg10 : memref<128xi32, #tpu.memory_space<vmem>>) semaphore(%run_scoped3A : memref<!tpu.dma_semaphore, #tpu.memory_space<semaphore_mem>>) {add = true}
        %dma_wait3A = arith.constant 0 : i32
        %dma_wait3A_52 = tpu.memref_slice %arg15[%dma_wait3A] : memref<81920xf32, #tpu.memory_space<vmem_shared>> -> memref<81920xf32, #tpu.memory_space<vmem_shared>>
        tpu.wait_indirect_dma semaphore(%run_scoped3A : memref<!tpu.dma_semaphore, #tpu.memory_space<semaphore_mem>>) src(%arg13 : memref<128xf32, #tpu.memory_space<vmem>>) dst(%dma_wait3A_52 : memref<81920xf32, #tpu.memory_space<vmem_shared>>)
        tpu.yield
      }) : () -> ()
      %scan3A_33 = arith.constant 0 : i32
      %scan3A_34 = arith.constant 0 : i32
      %scan3A_35 = arith.constant 8 : i32
      %scan3A_36 = arith.addi %scan3A_34, %scan3A_35 : i32
      %scan3A_37 = arith.constant 1 : i32
      scf.for %scan3A_51 = %scan3A_34 to %scan3A_36 step %scan3A_37  : i32 {
        %mul3A_52 = arith.constant 16 : i32
        %mul3A_53 = arith.muli %scan3A_51, %mul3A_52 : i32
        %get3A = arith.index_cast %mul3A_53 : i32 to index
        %get3A_54 = tpu.vector_load %arg9[%get3A] {strides = array<i32>} : memref<128xi32, #tpu.memory_space<vmem>>, vector<16xi32>,
        %get3A_55 = vector.shape_cast %get3A_54 : vector<16xi32> to vector<16xi32>
        %add3A_56 = arith.constant 10240 : i32
        %add3A_57 = vector.broadcast %add3A_56 : i32 to vector<16xi32>
        %add3A_58 = arith.addi %get3A_55, %add3A_57 : vector<16xi32>
        %mul3A_59 = arith.constant 16 : i32
        %mul3A_60 = arith.muli %scan3A_51, %mul3A_59 : i32
        %swap3A = arith.index_cast %mul3A_60 : i32 to index
        %swap3A_61 = tpu.vector_load %arg10[%swap3A] {strides = array<i32>} : memref<128xi32, #tpu.memory_space<vmem>>, vector<16xi32>,
        %swap3A_62 = vector.shape_cast %swap3A_61 : vector<16xi32> to vector<16xi32>
        %swap3A_63 = vector.shape_cast %add3A_58 : vector<16xi32> to vector<16xi32>
        tpu.vector_store %arg10[%swap3A], %swap3A_63 {strides = array<i32>} : memref<128xi32, #tpu.memory_space<vmem>>, vector<16xi32>,
        %mul3A_64 = arith.constant 16 : i32
        %mul3A_65 = arith.muli %scan3A_51, %mul3A_64 : i32
        %get3A_66 = arith.constant 1 : i32
        %get3A_67 = arith.index_cast %get3A_66 : i32 to index
        %get3A_68 = arith.index_cast %mul3A_65 : i32 to index
        %get3A_69 = tpu.vector_load %arg12[%get3A_67, %get3A_68] {strides = array<i32>} : memref<8x128xf32, #tpu.memory_space<vmem>>, vector<1x16xf32>,
        %get3A_70 = vector.shape_cast %get3A_69 : vector<1x16xf32> to vector<16xf32>
        %mul3A_71 = arith.constant 16 : i32
        %mul3A_72 = arith.muli %scan3A_51, %mul3A_71 : i32
        %swap3A_73 = arith.index_cast %mul3A_72 : i32 to index
        %swap3A_74 = tpu.vector_load %arg13[%swap3A_73] {strides = array<i32>} : memref<128xf32, #tpu.memory_space<vmem>>, vector<16xf32>,
        %swap3A_75 = vector.shape_cast %swap3A_74 : vector<16xf32> to vector<16xf32>
        %swap3A_76 = vector.shape_cast %get3A_70 : vector<16xf32> to vector<16xf32>
        tpu.vector_store %arg13[%swap3A_73], %swap3A_76 {strides = array<i32>} : memref<128xf32, #tpu.memory_space<vmem>>, vector<16xf32>,
      }
      %scan3A_38 = arith.constant 8 : i32
      "tpu.region"() ({
        %run_scoped3A = tpu.sem_alloc : memref<!tpu.dma_semaphore, #tpu.memory_space<semaphore_mem>>
        %dma_start3A = arith.constant 0 : i32
        %dma_start3A_51 = tpu.memref_slice %arg15[%dma_start3A] : memref<81920xf32, #tpu.memory_space<vmem_shared>> -> memref<81920xf32, #tpu.memory_space<vmem_shared>>
        tpu.enqueue_indirect_dma source(%arg13 : memref<128xf32, #tpu.memory_space<vmem>>) target(%dma_start3A_51 : memref<81920xf32, #tpu.memory_space<vmem_shared>>) offsets(%arg10 : memref<128xi32, #tpu.memory_space<vmem>>) semaphore(%run_scoped3A : memref<!tpu.dma_semaphore, #tpu.memory_space<semaphore_mem>>) {add = true}
        %dma_wait3A = arith.constant 0 : i32
        %dma_wait3A_52 = tpu.memref_slice %arg15[%dma_wait3A] : memref<81920xf32, #tpu.memory_space<vmem_shared>> -> memref<81920xf32, #tpu.memory_space<vmem_shared>>
        tpu.wait_indirect_dma semaphore(%run_scoped3A : memref<!tpu.dma_semaphore, #tpu.memory_space<semaphore_mem>>) src(%arg13 : memref<128xf32, #tpu.memory_space<vmem>>) dst(%dma_wait3A_52 : memref<81920xf32, #tpu.memory_space<vmem_shared>>)
        tpu.yield
      }) : () -> ()
      %scan3A_39 = arith.constant 0 : i32
      %scan3A_40 = arith.constant 0 : i32
      %scan3A_41 = arith.constant 8 : i32
      %scan3A_42 = arith.addi %scan3A_40, %scan3A_41 : i32
      %scan3A_43 = arith.constant 1 : i32
      scf.for %scan3A_51 = %scan3A_40 to %scan3A_42 step %scan3A_43  : i32 {
        %mul3A_52 = arith.constant 16 : i32
        %mul3A_53 = arith.muli %scan3A_51, %mul3A_52 : i32
        %get3A = arith.index_cast %mul3A_53 : i32 to index
        %get3A_54 = tpu.vector_load %arg9[%get3A] {strides = array<i32>} : memref<128xi32, #tpu.memory_space<vmem>>, vector<16xi32>,
        %get3A_55 = vector.shape_cast %get3A_54 : vector<16xi32> to vector<16xi32>
        %add3A_56 = arith.constant 20480 : i32
        %add3A_57 = vector.broadcast %add3A_56 : i32 to vector<16xi32>
        %add3A_58 = arith.addi %get3A_55, %add3A_57 : vector<16xi32>
        %mul3A_59 = arith.constant 16 : i32
        %mul3A_60 = arith.muli %scan3A_51, %mul3A_59 : i32
        %swap3A = arith.index_cast %mul3A_60 : i32 to index
        %swap3A_61 = tpu.vector_load %arg10[%swap3A] {strides = array<i32>} : memref<128xi32, #tpu.memory_space<vmem>>, vector<16xi32>,
        %swap3A_62 = vector.shape_cast %swap3A_61 : vector<16xi32> to vector<16xi32>
        %swap3A_63 = vector.shape_cast %add3A_58 : vector<16xi32> to vector<16xi32>
        tpu.vector_store %arg10[%swap3A], %swap3A_63 {strides = array<i32>} : memref<128xi32, #tpu.memory_space<vmem>>, vector<16xi32>,
        %mul3A_64 = arith.constant 16 : i32
        %mul3A_65 = arith.muli %scan3A_51, %mul3A_64 : i32
        %get3A_66 = arith.constant 2 : i32
        %get3A_67 = arith.index_cast %get3A_66 : i32 to index
        %get3A_68 = arith.index_cast %mul3A_65 : i32 to index
        %get3A_69 = tpu.vector_load %arg12[%get3A_67, %get3A_68] {strides = array<i32>} : memref<8x128xf32, #tpu.memory_space<vmem>>, vector<1x16xf32>,
        %get3A_70 = vector.shape_cast %get3A_69 : vector<1x16xf32> to vector<16xf32>
        %mul3A_71 = arith.constant 16 : i32
        %mul3A_72 = arith.muli %scan3A_51, %mul3A_71 : i32
        %swap3A_73 = arith.index_cast %mul3A_72 : i32 to index
        %swap3A_74 = tpu.vector_load %arg13[%swap3A_73] {strides = array<i32>} : memref<128xf32, #tpu.memory_space<vmem>>, vector<16xf32>,
        %swap3A_75 = vector.shape_cast %swap3A_74 : vector<16xf32> to vector<16xf32>
        %swap3A_76 = vector.shape_cast %get3A_70 : vector<16xf32> to vector<16xf32>
        tpu.vector_store %arg13[%swap3A_73], %swap3A_76 {strides = array<i32>} : memref<128xf32, #tpu.memory_space<vmem>>, vector<16xf32>,
      }
      %scan3A_44 = arith.constant 8 : i32
      "tpu.region"() ({
        %run_scoped3A = tpu.sem_alloc : memref<!tpu.dma_semaphore, #tpu.memory_space<semaphore_mem>>
        %dma_start3A = arith.constant 0 : i32
        %dma_start3A_51 = tpu.memref_slice %arg15[%dma_start3A] : memref<81920xf32, #tpu.memory_space<vmem_shared>> -> memref<81920xf32, #tpu.memory_space<vmem_shared>>
        tpu.enqueue_indirect_dma source(%arg13 : memref<128xf32, #tpu.memory_space<vmem>>) target(%dma_start3A_51 : memref<81920xf32, #tpu.memory_space<vmem_shared>>) offsets(%arg10 : memref<128xi32, #tpu.memory_space<vmem>>) semaphore(%run_scoped3A : memref<!tpu.dma_semaphore, #tpu.memory_space<semaphore_mem>>) {add = true}
        %dma_wait3A = arith.constant 0 : i32
        %dma_wait3A_52 = tpu.memref_slice %arg15[%dma_wait3A] : memref<81920xf32, #tpu.memory_space<vmem_shared>> -> memref<81920xf32, #tpu.memory_space<vmem_shared>>
        tpu.wait_indirect_dma semaphore(%run_scoped3A : memref<!tpu.dma_semaphore, #tpu.memory_space<semaphore_mem>>) src(%arg13 : memref<128xf32, #tpu.memory_space<vmem>>) dst(%dma_wait3A_52 : memref<81920xf32, #tpu.memory_space<vmem_shared>>)
        tpu.yield
      }) : () -> ()
      %scan3A_45 = arith.constant 0 : i32
      %scan3A_46 = arith.constant 0 : i32
      %scan3A_47 = arith.constant 8 : i32
      %scan3A_48 = arith.addi %scan3A_46, %scan3A_47 : i32
      %scan3A_49 = arith.constant 1 : i32
      scf.for %scan3A_51 = %scan3A_46 to %scan3A_48 step %scan3A_49  : i32 {
        %mul3A_52 = arith.constant 16 : i32
        %mul3A_53 = arith.muli %scan3A_51, %mul3A_52 : i32
        %get3A = arith.index_cast %mul3A_53 : i32 to index
        %get3A_54 = tpu.vector_load %arg9[%get3A] {strides = array<i32>} : memref<128xi32, #tpu.memory_space<vmem>>, vector<16xi32>,
        %get3A_55 = vector.shape_cast %get3A_54 : vector<16xi32> to vector<16xi32>
        %add3A_56 = arith.constant 30720 : i32
        %add3A_57 = vector.broadcast %add3A_56 : i32 to vector<16xi32>
        %add3A_58 = arith.addi %get3A_55, %add3A_57 : vector<16xi32>
        %mul3A_59 = arith.constant 16 : i32
        %mul3A_60 = arith.muli %scan3A_51, %mul3A_59 : i32
        %swap3A = arith.index_cast %mul3A_60 : i32 to index
        %swap3A_61 = tpu.vector_load %arg10[%swap3A] {strides = array<i32>} : memref<128xi32, #tpu.memory_space<vmem>>, vector<16xi32>,
        %swap3A_62 = vector.shape_cast %swap3A_61 : vector<16xi32> to vector<16xi32>
        %swap3A_63 = vector.shape_cast %add3A_58 : vector<16xi32> to vector<16xi32>
        tpu.vector_store %arg10[%swap3A], %swap3A_63 {strides = array<i32>} : memref<128xi32, #tpu.memory_space<vmem>>, vector<16xi32>,
        %mul3A_64 = arith.constant 16 : i32
        %mul3A_65 = arith.muli %scan3A_51, %mul3A_64 : i32
        %get3A_66 = arith.constant 3 : i32
        %get3A_67 = arith.index_cast %get3A_66 : i32 to index
        %get3A_68 = arith.index_cast %mul3A_65 : i32 to index
        %get3A_69 = tpu.vector_load %arg12[%get3A_67, %get3A_68] {strides = array<i32>} : memref<8x128xf32, #tpu.memory_space<vmem>>, vector<1x16xf32>,
        %get3A_70 = vector.shape_cast %get3A_69 : vector<1x16xf32> to vector<16xf32>
        %mul3A_71 = arith.constant 16 : i32
        %mul3A_72 = arith.muli %scan3A_51, %mul3A_71 : i32
        %swap3A_73 = arith.index_cast %mul3A_72 : i32 to index
        %swap3A_74 = tpu.vector_load %arg13[%swap3A_73] {strides = array<i32>} : memref<128xf32, #tpu.memory_space<vmem>>, vector<16xf32>,
        %swap3A_75 = vector.shape_cast %swap3A_74 : vector<16xf32> to vector<16xf32>
        %swap3A_76 = vector.shape_cast %get3A_70 : vector<16xf32> to vector<16xf32>
        tpu.vector_store %arg13[%swap3A_73], %swap3A_76 {strides = array<i32>} : memref<128xf32, #tpu.memory_space<vmem>>, vector<16xf32>,
      }
      %scan3A_50 = arith.constant 8 : i32
      "tpu.region"() ({
        %run_scoped3A = tpu.sem_alloc : memref<!tpu.dma_semaphore, #tpu.memory_space<semaphore_mem>>
        %dma_start3A = arith.constant 0 : i32
        %dma_start3A_51 = tpu.memref_slice %arg15[%dma_start3A] : memref<81920xf32, #tpu.memory_space<vmem_shared>> -> memref<81920xf32, #tpu.memory_space<vmem_shared>>
        tpu.enqueue_indirect_dma source(%arg13 : memref<128xf32, #tpu.memory_space<vmem>>) target(%dma_start3A_51 : memref<81920xf32, #tpu.memory_space<vmem_shared>>) offsets(%arg10 : memref<128xi32, #tpu.memory_space<vmem>>) semaphore(%run_scoped3A : memref<!tpu.dma_semaphore, #tpu.memory_space<semaphore_mem>>) {add = true}
        %dma_wait3A = arith.constant 0 : i32
        %dma_wait3A_52 = tpu.memref_slice %arg15[%dma_wait3A] : memref<81920xf32, #tpu.memory_space<vmem_shared>> -> memref<81920xf32, #tpu.memory_space<vmem_shared>>
        tpu.wait_indirect_dma semaphore(%run_scoped3A : memref<!tpu.dma_semaphore, #tpu.memory_space<semaphore_mem>>) src(%arg13 : memref<128xf32, #tpu.memory_space<vmem>>) dst(%dma_wait3A_52 : memref<81920xf32, #tpu.memory_space<vmem_shared>>)
        tpu.yield
      }) : () -> ()
    }
    %scan3A_9 = arith.constant 78 : i32
    %lt3A = arith.constant 4 : i32
    %lt3A_10 = arith.cmpi slt, %add3A, %lt3A : i32
    %convert_element_type3A = arith.extui %lt3A_10 : i1 to i32
    %cond3A = arith.constant 0 : i32
    %cond3A_11 = arith.cmpi ne, %convert_element_type3A, %cond3A : i32
    scf.if %cond3A_11 {
      %mul3A_21 = arith.constant 128 : i32
      %mul3A_22 = arith.muli %add3A, %mul3A_21 : i32
      %add3A_23 = arith.constant 319488 : i32
      %add3A_24 = arith.addi %add3A_23, %mul3A_22 : i32
      "tpu.region"() ({
        %run_scoped3A = tpu.sem_alloc : memref<!tpu.dma_semaphore, #tpu.memory_space<semaphore_mem>>
        %dma_start3A = tpu.memref_slice %arg2[%add3A_24] : memref<320000xi32, #tpu.memory_space<hbm>> -> memref<128xi32, #tpu.memory_space<hbm>>
        %dma_start3A_49 = tpu.memref_slice %arg2[%add3A_24] : memref<320000xi32, #tpu.memory_space<hbm>> -> memref<128xi32, #tpu.memory_space<hbm>>
        tpu.enqueue_dma source(%dma_start3A_49 : memref<128xi32, #tpu.memory_space<hbm>>) target(%arg9 : memref<128xi32, #tpu.memory_space<vmem>>) target_semaphore(%run_scoped3A : memref<!tpu.dma_semaphore, #tpu.memory_space<semaphore_mem>>)
        %dma_wait3A = tpu.memref_slice %arg2[%add3A_24] : memref<320000xi32, #tpu.memory_space<hbm>> -> memref<128xi32, #tpu.memory_space<hbm>>
        %dma_wait3A_50 = tpu.memref_slice %arg2[%add3A_24] : memref<320000xi32, #tpu.memory_space<hbm>> -> memref<128xi32, #tpu.memory_space<hbm>>
        tpu.wait_dma2 semaphore(%run_scoped3A : memref<!tpu.dma_semaphore, #tpu.memory_space<semaphore_mem>>) src(%dma_wait3A_50 : memref<128xi32, #tpu.memory_space<hbm>>) dst(%arg9 : memref<128xi32, #tpu.memory_space<vmem>>)
        tpu.yield
      }) : () -> ()
      "tpu.region"() ({
        %run_scoped3A = tpu.sem_alloc : memref<!tpu.dma_semaphore, #tpu.memory_space<semaphore_mem>>
        %dma_start3A = arith.constant 0 : i32
        %dma_start3A_49 = tpu.memref_slice %arg3[%add3A_24, %dma_start3A] : memref<320000x128xf32, #tpu.memory_space<hbm>> -> memref<128x128xf32, #tpu.memory_space<hbm>>
        %dma_start3A_50 = arith.constant 0 : i32
        %dma_start3A_51 = tpu.memref_slice %arg3[%add3A_24, %dma_start3A_50] : memref<320000x128xf32, #tpu.memory_space<hbm>> -> memref<128x128xf32, #tpu.memory_space<hbm>>
        tpu.enqueue_dma source(%dma_start3A_51 : memref<128x128xf32, #tpu.memory_space<hbm>>) target(%arg11 : memref<128x128xf32, #tpu.memory_space<vmem>>) target_semaphore(%run_scoped3A : memref<!tpu.dma_semaphore, #tpu.memory_space<semaphore_mem>>)
        %dma_wait3A = arith.constant 0 : i32
        %dma_wait3A_52 = tpu.memref_slice %arg3[%add3A_24, %dma_wait3A] : memref<320000x128xf32, #tpu.memory_space<hbm>> -> memref<128x128xf32, #tpu.memory_space<hbm>>
        %dma_wait3A_53 = arith.constant 0 : i32
        %dma_wait3A_54 = tpu.memref_slice %arg3[%add3A_24, %dma_wait3A_53] : memref<320000x128xf32, #tpu.memory_space<hbm>> -> memref<128x128xf32, #tpu.memory_space<hbm>>
        tpu.wait_dma2 semaphore(%run_scoped3A : memref<!tpu.dma_semaphore, #tpu.memory_space<semaphore_mem>>) src(%dma_wait3A_54 : memref<128x128xf32, #tpu.memory_space<hbm>>) dst(%arg11 : memref<128x128xf32, #tpu.memory_space<vmem>>)
        tpu.yield
      }) : () -> ()
      "tpu.region"() ({
        %run_scoped3A = tpu.sem_alloc : memref<!tpu.dma_semaphore, #tpu.memory_space<semaphore_mem>>
        %dma_start3A = arith.constant 0 : i32
        %dma_start3A_49 = tpu.memref_slice %arg4[%dma_start3A, %add3A_24] : memref<8x320000xf32, #tpu.memory_space<hbm>> -> memref<8x128xf32, #tpu.memory_space<hbm>>
        %dma_start3A_50 = arith.constant 0 : i32
        %dma_start3A_51 = tpu.memref_slice %arg4[%dma_start3A_50, %add3A_24] : memref<8x320000xf32, #tpu.memory_space<hbm>> -> memref<8x128xf32, #tpu.memory_space<hbm>>
        tpu.enqueue_dma source(%dma_start3A_51 : memref<8x128xf32, #tpu.memory_space<hbm>>) target(%arg12 : memref<8x128xf32, #tpu.memory_space<vmem>>) target_semaphore(%run_scoped3A : memref<!tpu.dma_semaphore, #tpu.memory_space<semaphore_mem>>)
        %dma_wait3A = arith.constant 0 : i32
        %dma_wait3A_52 = tpu.memref_slice %arg4[%dma_wait3A, %add3A_24] : memref<8x320000xf32, #tpu.memory_space<hbm>> -> memref<8x128xf32, #tpu.memory_space<hbm>>
        %dma_wait3A_53 = arith.constant 0 : i32
        %dma_wait3A_54 = tpu.memref_slice %arg4[%dma_wait3A_53, %add3A_24] : memref<8x320000xf32, #tpu.memory_space<hbm>> -> memref<8x128xf32, #tpu.memory_space<hbm>>
        tpu.wait_dma2 semaphore(%run_scoped3A : memref<!tpu.dma_semaphore, #tpu.memory_space<semaphore_mem>>) src(%dma_wait3A_54 : memref<8x128xf32, #tpu.memory_space<hbm>>) dst(%arg12 : memref<8x128xf32, #tpu.memory_space<vmem>>)
        tpu.yield
      }) : () -> ()
      "tpu.region"() ({
        %run_scoped3A = tpu.sem_alloc : memref<!tpu.dma_semaphore, #tpu.memory_space<semaphore_mem>>
        %dma_start3A = arith.constant 0 : i32
        %dma_start3A_49 = arith.constant 0 : i32
        %dma_start3A_50 = tpu.memref_slice %arg14[%dma_start3A, %dma_start3A_49] : memref<10240x128xf32, #tpu.memory_space<vmem_shared>> -> memref<10240x128xf32, #tpu.memory_space<vmem_shared>>
        tpu.enqueue_indirect_dma source(%arg11 : memref<128x128xf32, #tpu.memory_space<vmem>>) target(%dma_start3A_50 : memref<10240x128xf32, #tpu.memory_space<vmem_shared>>) offsets(%arg9 : memref<128xi32, #tpu.memory_space<vmem>>) semaphore(%run_scoped3A : memref<!tpu.dma_semaphore, #tpu.memory_space<semaphore_mem>>) {add = true}
        %dma_wait3A = arith.constant 0 : i32
        %dma_wait3A_51 = arith.constant 0 : i32
        %dma_wait3A_52 = tpu.memref_slice %arg14[%dma_wait3A, %dma_wait3A_51] : memref<10240x128xf32, #tpu.memory_space<vmem_shared>> -> memref<10240x128xf32, #tpu.memory_space<vmem_shared>>
        tpu.wait_indirect_dma semaphore(%run_scoped3A : memref<!tpu.dma_semaphore, #tpu.memory_space<semaphore_mem>>) src(%arg11 : memref<128x128xf32, #tpu.memory_space<vmem>>) dst(%dma_wait3A_52 : memref<10240x128xf32, #tpu.memory_space<vmem_shared>>)
        tpu.yield
      }) : () -> ()
      %scan3A_25 = arith.constant 0 : i32
      %scan3A_26 = arith.constant 0 : i32
      %scan3A_27 = arith.constant 8 : i32
      %scan3A_28 = arith.addi %scan3A_26, %scan3A_27 : i32
      %scan3A_29 = arith.constant 1 : i32
      scf.for %scan3A_49 = %scan3A_26 to %scan3A_28 step %scan3A_29  : i32 {
        %mul3A_50 = arith.constant 16 : i32
        %mul3A_51 = arith.muli %scan3A_49, %mul3A_50 : i32
        %get3A = arith.index_cast %mul3A_51 : i32 to index
        %get3A_52 = tpu.vector_load %arg9[%get3A] {strides = array<i32>} : memref<128xi32, #tpu.memory_space<vmem>>, vector<16xi32>,
        %get3A_53 = vector.shape_cast %get3A_52 : vector<16xi32> to vector<16xi32>
        %add3A_54 = arith.constant 0 : i32
        %add3A_55 = vector.broadcast %add3A_54 : i32 to vector<16xi32>
        %add3A_56 = arith.addi %get3A_53, %add3A_55 : vector<16xi32>
        %mul3A_57 = arith.constant 16 : i32
        %mul3A_58 = arith.muli %scan3A_49, %mul3A_57 : i32
        %swap3A = arith.index_cast %mul3A_58 : i32 to index
        %swap3A_59 = tpu.vector_load %arg10[%swap3A] {strides = array<i32>} : memref<128xi32, #tpu.memory_space<vmem>>, vector<16xi32>,
        %swap3A_60 = vector.shape_cast %swap3A_59 : vector<16xi32> to vector<16xi32>
        %swap3A_61 = vector.shape_cast %add3A_56 : vector<16xi32> to vector<16xi32>
        tpu.vector_store %arg10[%swap3A], %swap3A_61 {strides = array<i32>} : memref<128xi32, #tpu.memory_space<vmem>>, vector<16xi32>,
        %mul3A_62 = arith.constant 16 : i32
        %mul3A_63 = arith.muli %scan3A_49, %mul3A_62 : i32
        %get3A_64 = arith.constant 0 : i32
        %get3A_65 = arith.index_cast %get3A_64 : i32 to index
        %get3A_66 = arith.index_cast %mul3A_63 : i32 to index
        %get3A_67 = tpu.vector_load %arg12[%get3A_65, %get3A_66] {strides = array<i32>} : memref<8x128xf32, #tpu.memory_space<vmem>>, vector<1x16xf32>,
        %get3A_68 = vector.shape_cast %get3A_67 : vector<1x16xf32> to vector<16xf32>
        %mul3A_69 = arith.constant 16 : i32
        %mul3A_70 = arith.muli %scan3A_49, %mul3A_69 : i32
        %swap3A_71 = arith.index_cast %mul3A_70 : i32 to index
        %swap3A_72 = tpu.vector_load %arg13[%swap3A_71] {strides = array<i32>} : memref<128xf32, #tpu.memory_space<vmem>>, vector<16xf32>,
        %swap3A_73 = vector.shape_cast %swap3A_72 : vector<16xf32> to vector<16xf32>
        %swap3A_74 = vector.shape_cast %get3A_68 : vector<16xf32> to vector<16xf32>
        tpu.vector_store %arg13[%swap3A_71], %swap3A_74 {strides = array<i32>} : memref<128xf32, #tpu.memory_space<vmem>>, vector<16xf32>,
      }
      %scan3A_30 = arith.constant 8 : i32
      "tpu.region"() ({
        %run_scoped3A = tpu.sem_alloc : memref<!tpu.dma_semaphore, #tpu.memory_space<semaphore_mem>>
        %dma_start3A = arith.constant 0 : i32
        %dma_start3A_49 = tpu.memref_slice %arg15[%dma_start3A] : memref<81920xf32, #tpu.memory_space<vmem_shared>> -> memref<81920xf32, #tpu.memory_space<vmem_shared>>
        tpu.enqueue_indirect_dma source(%arg13 : memref<128xf32, #tpu.memory_space<vmem>>) target(%dma_start3A_49 : memref<81920xf32, #tpu.memory_space<vmem_shared>>) offsets(%arg10 : memref<128xi32, #tpu.memory_space<vmem>>) semaphore(%run_scoped3A : memref<!tpu.dma_semaphore, #tpu.memory_space<semaphore_mem>>) {add = true}
        %dma_wait3A = arith.constant 0 : i32
        %dma_wait3A_50 = tpu.memref_slice %arg15[%dma_wait3A] : memref<81920xf32, #tpu.memory_space<vmem_shared>> -> memref<81920xf32, #tpu.memory_space<vmem_shared>>
        tpu.wait_indirect_dma semaphore(%run_scoped3A : memref<!tpu.dma_semaphore, #tpu.memory_space<semaphore_mem>>) src(%arg13 : memref<128xf32, #tpu.memory_space<vmem>>) dst(%dma_wait3A_50 : memref<81920xf32, #tpu.memory_space<vmem_shared>>)
        tpu.yield
      }) : () -> ()
      %scan3A_31 = arith.constant 0 : i32
      %scan3A_32 = arith.constant 0 : i32
      %scan3A_33 = arith.constant 8 : i32
      %scan3A_34 = arith.addi %scan3A_32, %scan3A_33 : i32
      %scan3A_35 = arith.constant 1 : i32
      scf.for %scan3A_49 = %scan3A_32 to %scan3A_34 step %scan3A_35  : i32 {
        %mul3A_50 = arith.constant 16 : i32
        %mul3A_51 = arith.muli %scan3A_49, %mul3A_50 : i32
        %get3A = arith.index_cast %mul3A_51 : i32 to index
        %get3A_52 = tpu.vector_load %arg9[%get3A] {strides = array<i32>} : memref<128xi32, #tpu.memory_space<vmem>>, vector<16xi32>,
        %get3A_53 = vector.shape_cast %get3A_52 : vector<16xi32> to vector<16xi32>
        %add3A_54 = arith.constant 10240 : i32
        %add3A_55 = vector.broadcast %add3A_54 : i32 to vector<16xi32>
        %add3A_56 = arith.addi %get3A_53, %add3A_55 : vector<16xi32>
        %mul3A_57 = arith.constant 16 : i32
        %mul3A_58 = arith.muli %scan3A_49, %mul3A_57 : i32
        %swap3A = arith.index_cast %mul3A_58 : i32 to index
        %swap3A_59 = tpu.vector_load %arg10[%swap3A] {strides = array<i32>} : memref<128xi32, #tpu.memory_space<vmem>>, vector<16xi32>,
        %swap3A_60 = vector.shape_cast %swap3A_59 : vector<16xi32> to vector<16xi32>
        %swap3A_61 = vector.shape_cast %add3A_56 : vector<16xi32> to vector<16xi32>
        tpu.vector_store %arg10[%swap3A], %swap3A_61 {strides = array<i32>} : memref<128xi32, #tpu.memory_space<vmem>>, vector<16xi32>,
        %mul3A_62 = arith.constant 16 : i32
        %mul3A_63 = arith.muli %scan3A_49, %mul3A_62 : i32
        %get3A_64 = arith.constant 1 : i32
        %get3A_65 = arith.index_cast %get3A_64 : i32 to index
        %get3A_66 = arith.index_cast %mul3A_63 : i32 to index
        %get3A_67 = tpu.vector_load %arg12[%get3A_65, %get3A_66] {strides = array<i32>} : memref<8x128xf32, #tpu.memory_space<vmem>>, vector<1x16xf32>,
        %get3A_68 = vector.shape_cast %get3A_67 : vector<1x16xf32> to vector<16xf32>
        %mul3A_69 = arith.constant 16 : i32
        %mul3A_70 = arith.muli %scan3A_49, %mul3A_69 : i32
        %swap3A_71 = arith.index_cast %mul3A_70 : i32 to index
        %swap3A_72 = tpu.vector_load %arg13[%swap3A_71] {strides = array<i32>} : memref<128xf32, #tpu.memory_space<vmem>>, vector<16xf32>,
        %swap3A_73 = vector.shape_cast %swap3A_72 : vector<16xf32> to vector<16xf32>
        %swap3A_74 = vector.shape_cast %get3A_68 : vector<16xf32> to vector<16xf32>
        tpu.vector_store %arg13[%swap3A_71], %swap3A_74 {strides = array<i32>} : memref<128xf32, #tpu.memory_space<vmem>>, vector<16xf32>,
      }
      %scan3A_36 = arith.constant 8 : i32
      "tpu.region"() ({
        %run_scoped3A = tpu.sem_alloc : memref<!tpu.dma_semaphore, #tpu.memory_space<semaphore_mem>>
        %dma_start3A = arith.constant 0 : i32
        %dma_start3A_49 = tpu.memref_slice %arg15[%dma_start3A] : memref<81920xf32, #tpu.memory_space<vmem_shared>> -> memref<81920xf32, #tpu.memory_space<vmem_shared>>
        tpu.enqueue_indirect_dma source(%arg13 : memref<128xf32, #tpu.memory_space<vmem>>) target(%dma_start3A_49 : memref<81920xf32, #tpu.memory_space<vmem_shared>>) offsets(%arg10 : memref<128xi32, #tpu.memory_space<vmem>>) semaphore(%run_scoped3A : memref<!tpu.dma_semaphore, #tpu.memory_space<semaphore_mem>>) {add = true}
        %dma_wait3A = arith.constant 0 : i32
        %dma_wait3A_50 = tpu.memref_slice %arg15[%dma_wait3A] : memref<81920xf32, #tpu.memory_space<vmem_shared>> -> memref<81920xf32, #tpu.memory_space<vmem_shared>>
        tpu.wait_indirect_dma semaphore(%run_scoped3A : memref<!tpu.dma_semaphore, #tpu.memory_space<semaphore_mem>>) src(%arg13 : memref<128xf32, #tpu.memory_space<vmem>>) dst(%dma_wait3A_50 : memref<81920xf32, #tpu.memory_space<vmem_shared>>)
        tpu.yield
      }) : () -> ()
      %scan3A_37 = arith.constant 0 : i32
      %scan3A_38 = arith.constant 0 : i32
      %scan3A_39 = arith.constant 8 : i32
      %scan3A_40 = arith.addi %scan3A_38, %scan3A_39 : i32
      %scan3A_41 = arith.constant 1 : i32
      scf.for %scan3A_49 = %scan3A_38 to %scan3A_40 step %scan3A_41  : i32 {
        %mul3A_50 = arith.constant 16 : i32
        %mul3A_51 = arith.muli %scan3A_49, %mul3A_50 : i32
        %get3A = arith.index_cast %mul3A_51 : i32 to index
        %get3A_52 = tpu.vector_load %arg9[%get3A] {strides = array<i32>} : memref<128xi32, #tpu.memory_space<vmem>>, vector<16xi32>,
        %get3A_53 = vector.shape_cast %get3A_52 : vector<16xi32> to vector<16xi32>
        %add3A_54 = arith.constant 20480 : i32
        %add3A_55 = vector.broadcast %add3A_54 : i32 to vector<16xi32>
        %add3A_56 = arith.addi %get3A_53, %add3A_55 : vector<16xi32>
        %mul3A_57 = arith.constant 16 : i32
        %mul3A_58 = arith.muli %scan3A_49, %mul3A_57 : i32
        %swap3A = arith.index_cast %mul3A_58 : i32 to index
        %swap3A_59 = tpu.vector_load %arg10[%swap3A] {strides = array<i32>} : memref<128xi32, #tpu.memory_space<vmem>>, vector<16xi32>,
        %swap3A_60 = vector.shape_cast %swap3A_59 : vector<16xi32> to vector<16xi32>
        %swap3A_61 = vector.shape_cast %add3A_56 : vector<16xi32> to vector<16xi32>
        tpu.vector_store %arg10[%swap3A], %swap3A_61 {strides = array<i32>} : memref<128xi32, #tpu.memory_space<vmem>>, vector<16xi32>,
        %mul3A_62 = arith.constant 16 : i32
        %mul3A_63 = arith.muli %scan3A_49, %mul3A_62 : i32
        %get3A_64 = arith.constant 2 : i32
        %get3A_65 = arith.index_cast %get3A_64 : i32 to index
        %get3A_66 = arith.index_cast %mul3A_63 : i32 to index
        %get3A_67 = tpu.vector_load %arg12[%get3A_65, %get3A_66] {strides = array<i32>} : memref<8x128xf32, #tpu.memory_space<vmem>>, vector<1x16xf32>,
        %get3A_68 = vector.shape_cast %get3A_67 : vector<1x16xf32> to vector<16xf32>
        %mul3A_69 = arith.constant 16 : i32
        %mul3A_70 = arith.muli %scan3A_49, %mul3A_69 : i32
        %swap3A_71 = arith.index_cast %mul3A_70 : i32 to index
        %swap3A_72 = tpu.vector_load %arg13[%swap3A_71] {strides = array<i32>} : memref<128xf32, #tpu.memory_space<vmem>>, vector<16xf32>,
        %swap3A_73 = vector.shape_cast %swap3A_72 : vector<16xf32> to vector<16xf32>
        %swap3A_74 = vector.shape_cast %get3A_68 : vector<16xf32> to vector<16xf32>
        tpu.vector_store %arg13[%swap3A_71], %swap3A_74 {strides = array<i32>} : memref<128xf32, #tpu.memory_space<vmem>>, vector<16xf32>,
      }
      %scan3A_42 = arith.constant 8 : i32
      "tpu.region"() ({
        %run_scoped3A = tpu.sem_alloc : memref<!tpu.dma_semaphore, #tpu.memory_space<semaphore_mem>>
        %dma_start3A = arith.constant 0 : i32
        %dma_start3A_49 = tpu.memref_slice %arg15[%dma_start3A] : memref<81920xf32, #tpu.memory_space<vmem_shared>> -> memref<81920xf32, #tpu.memory_space<vmem_shared>>
        tpu.enqueue_indirect_dma source(%arg13 : memref<128xf32, #tpu.memory_space<vmem>>) target(%dma_start3A_49 : memref<81920xf32, #tpu.memory_space<vmem_shared>>) offsets(%arg10 : memref<128xi32, #tpu.memory_space<vmem>>) semaphore(%run_scoped3A : memref<!tpu.dma_semaphore, #tpu.memory_space<semaphore_mem>>) {add = true}
        %dma_wait3A = arith.constant 0 : i32
        %dma_wait3A_50 = tpu.memref_slice %arg15[%dma_wait3A] : memref<81920xf32, #tpu.memory_space<vmem_shared>> -> memref<81920xf32, #tpu.memory_space<vmem_shared>>
        tpu.wait_indirect_dma semaphore(%run_scoped3A : memref<!tpu.dma_semaphore, #tpu.memory_space<semaphore_mem>>) src(%arg13 : memref<128xf32, #tpu.memory_space<vmem>>) dst(%dma_wait3A_50 : memref<81920xf32, #tpu.memory_space<vmem_shared>>)
        tpu.yield
      }) : () -> ()
      %scan3A_43 = arith.constant 0 : i32
      %scan3A_44 = arith.constant 0 : i32
      %scan3A_45 = arith.constant 8 : i32
      %scan3A_46 = arith.addi %scan3A_44, %scan3A_45 : i32
      %scan3A_47 = arith.constant 1 : i32
      scf.for %scan3A_49 = %scan3A_44 to %scan3A_46 step %scan3A_47  : i32 {
        %mul3A_50 = arith.constant 16 : i32
        %mul3A_51 = arith.muli %scan3A_49, %mul3A_50 : i32
        %get3A = arith.index_cast %mul3A_51 : i32 to index
        %get3A_52 = tpu.vector_load %arg9[%get3A] {strides = array<i32>} : memref<128xi32, #tpu.memory_space<vmem>>, vector<16xi32>,
        %get3A_53 = vector.shape_cast %get3A_52 : vector<16xi32> to vector<16xi32>
        %add3A_54 = arith.constant 30720 : i32
        %add3A_55 = vector.broadcast %add3A_54 : i32 to vector<16xi32>
        %add3A_56 = arith.addi %get3A_53, %add3A_55 : vector<16xi32>
        %mul3A_57 = arith.constant 16 : i32
        %mul3A_58 = arith.muli %scan3A_49, %mul3A_57 : i32
        %swap3A = arith.index_cast %mul3A_58 : i32 to index
        %swap3A_59 = tpu.vector_load %arg10[%swap3A] {strides = array<i32>} : memref<128xi32, #tpu.memory_space<vmem>>, vector<16xi32>,
        %swap3A_60 = vector.shape_cast %swap3A_59 : vector<16xi32> to vector<16xi32>
        %swap3A_61 = vector.shape_cast %add3A_56 : vector<16xi32> to vector<16xi32>
        tpu.vector_store %arg10[%swap3A], %swap3A_61 {strides = array<i32>} : memref<128xi32, #tpu.memory_space<vmem>>, vector<16xi32>,
        %mul3A_62 = arith.constant 16 : i32
        %mul3A_63 = arith.muli %scan3A_49, %mul3A_62 : i32
        %get3A_64 = arith.constant 3 : i32
        %get3A_65 = arith.index_cast %get3A_64 : i32 to index
        %get3A_66 = arith.index_cast %mul3A_63 : i32 to index
        %get3A_67 = tpu.vector_load %arg12[%get3A_65, %get3A_66] {strides = array<i32>} : memref<8x128xf32, #tpu.memory_space<vmem>>, vector<1x16xf32>,
        %get3A_68 = vector.shape_cast %get3A_67 : vector<1x16xf32> to vector<16xf32>
        %mul3A_69 = arith.constant 16 : i32
        %mul3A_70 = arith.muli %scan3A_49, %mul3A_69 : i32
        %swap3A_71 = arith.index_cast %mul3A_70 : i32 to index
        %swap3A_72 = tpu.vector_load %arg13[%swap3A_71] {strides = array<i32>} : memref<128xf32, #tpu.memory_space<vmem>>, vector<16xf32>,
        %swap3A_73 = vector.shape_cast %swap3A_72 : vector<16xf32> to vector<16xf32>
        %swap3A_74 = vector.shape_cast %get3A_68 : vector<16xf32> to vector<16xf32>
        tpu.vector_store %arg13[%swap3A_71], %swap3A_74 {strides = array<i32>} : memref<128xf32, #tpu.memory_space<vmem>>, vector<16xf32>,
      }
      %scan3A_48 = arith.constant 8 : i32
      "tpu.region"() ({
        %run_scoped3A = tpu.sem_alloc : memref<!tpu.dma_semaphore, #tpu.memory_space<semaphore_mem>>
        %dma_start3A = arith.constant 0 : i32
        %dma_start3A_49 = tpu.memref_slice %arg15[%dma_start3A] : memref<81920xf32, #tpu.memory_space<vmem_shared>> -> memref<81920xf32, #tpu.memory_space<vmem_shared>>
        tpu.enqueue_indirect_dma source(%arg13 : memref<128xf32, #tpu.memory_space<vmem>>) target(%dma_start3A_49 : memref<81920xf32, #tpu.memory_space<vmem_shared>>) offsets(%arg10 : memref<128xi32, #tpu.memory_space<vmem>>) semaphore(%run_scoped3A : memref<!tpu.dma_semaphore, #tpu.memory_space<semaphore_mem>>) {add = true}
        %dma_wait3A = arith.constant 0 : i32
        %dma_wait3A_50 = tpu.memref_slice %arg15[%dma_wait3A] : memref<81920xf32, #tpu.memory_space<vmem_shared>> -> memref<81920xf32, #tpu.memory_space<vmem_shared>>
        tpu.wait_indirect_dma semaphore(%run_scoped3A : memref<!tpu.dma_semaphore, #tpu.memory_space<semaphore_mem>>) src(%arg13 : memref<128xf32, #tpu.memory_space<vmem>>) dst(%dma_wait3A_50 : memref<81920xf32, #tpu.memory_space<vmem_shared>>)
        tpu.yield
      }) : () -> ()
    } else {
    }
    %barrier3A_12 = arith.constant 0 : index
    tpu.barrier barrier_id(%barrier3A_12)
    %mul3A_13 = arith.constant 640 : i32
    %mul3A_14 = arith.muli %arg1, %mul3A_13 : i32
    %mul3A_15 = arith.constant 640 : i32
    %mul3A_16 = arith.muli %arg1, %mul3A_15 : i32
    "tpu.region"() ({
      %run_scoped3A = tpu.sem_alloc : memref<!tpu.dma_semaphore, #tpu.memory_space<semaphore_mem>>
      %dma_start3A = arith.constant 0 : i32
      %dma_start3A_21 = tpu.memref_slice %arg7[%arg0, %mul3A_16, %dma_start3A] : memref<2x10240x128xf32, #tpu.memory_space<hbm>> -> memref<1x640x128xf32, #tpu.memory_space<hbm>>
      %dma_start3A_22 = tpu.memref_squeeze %dma_start3A_21 : memref<1x640x128xf32, #tpu.memory_space<hbm>> -> memref<640x128xf32, #tpu.memory_space<hbm>>
      %dma_start3A_23 = arith.constant 0 : i32
      %dma_start3A_24 = tpu.memref_slice %arg14[%mul3A_14, %dma_start3A_23] : memref<10240x128xf32, #tpu.memory_space<vmem_shared>> -> memref<640x128xf32, #tpu.memory_space<vmem_shared>>
      tpu.enqueue_dma source(%dma_start3A_24 : memref<640x128xf32, #tpu.memory_space<vmem_shared>>) target(%dma_start3A_22 : memref<640x128xf32, #tpu.memory_space<hbm>>) target_semaphore(%run_scoped3A : memref<!tpu.dma_semaphore, #tpu.memory_space<semaphore_mem>>)
      %dma_wait3A = arith.constant 0 : i32
      %dma_wait3A_25 = tpu.memref_slice %arg7[%arg0, %mul3A_16, %dma_wait3A] : memref<2x10240x128xf32, #tpu.memory_space<hbm>> -> memref<1x640x128xf32, #tpu.memory_space<hbm>>
      %dma_wait3A_26 = tpu.memref_squeeze %dma_wait3A_25 : memref<1x640x128xf32, #tpu.memory_space<hbm>> -> memref<640x128xf32, #tpu.memory_space<hbm>>
      %dma_wait3A_27 = arith.constant 0 : i32
      %dma_wait3A_28 = tpu.memref_slice %arg14[%mul3A_14, %dma_wait3A_27] : memref<10240x128xf32, #tpu.memory_space<vmem_shared>> -> memref<640x128xf32, #tpu.memory_space<vmem_shared>>
      tpu.wait_dma2 semaphore(%run_scoped3A : memref<!tpu.dma_semaphore, #tpu.memory_space<semaphore_mem>>) src(%dma_wait3A_28 : memref<640x128xf32, #tpu.memory_space<vmem_shared>>) dst(%dma_wait3A_26 : memref<640x128xf32, #tpu.memory_space<hbm>>)
      tpu.yield
    }) : () -> ()
    %mul3A_17 = arith.constant 5120 : i32
    %mul3A_18 = arith.muli %arg1, %mul3A_17 : i32
    %mul3A_19 = arith.constant 5120 : i32
    %mul3A_20 = arith.muli %arg1, %mul3A_19 : i32
    "tpu.region"() ({
      %run_scoped3A = tpu.sem_alloc : memref<!tpu.dma_semaphore, #tpu.memory_space<semaphore_mem>>
      %dma_start3A = tpu.memref_slice %arg8[%arg0, %mul3A_20] : memref<2x81920xf32, #tpu.memory_space<hbm>> -> memref<1x5120xf32, #tpu.memory_space<hbm>>
      %dma_start3A_21 = tpu.memref_squeeze %dma_start3A : memref<1x5120xf32, #tpu.memory_space<hbm>> -> memref<5120xf32, #tpu.memory_space<hbm>>
      %dma_start3A_22 = tpu.memref_slice %arg15[%mul3A_18] : memref<81920xf32, #tpu.memory_space<vmem_shared>> -> memref<5120xf32, #tpu.memory_space<vmem_shared>>
      tpu.enqueue_dma source(%dma_start3A_22 : memref<5120xf32, #tpu.memory_space<vmem_shared>>) target(%dma_start3A_21 : memref<5120xf32, #tpu.memory_space<hbm>>) target_semaphore(%run_scoped3A : memref<!tpu.dma_semaphore, #tpu.memory_space<semaphore_mem>>)
      %dma_wait3A = tpu.memref_slice %arg8[%arg0, %mul3A_20] : memref<2x81920xf32, #tpu.memory_space<hbm>> -> memref<1x5120xf32, #tpu.memory_space<hbm>>
      %dma_wait3A_23 = tpu.memref_squeeze %dma_wait3A : memref<1x5120xf32, #tpu.memory_space<hbm>> -> memref<5120xf32, #tpu.memory_space<hbm>>
      %dma_wait3A_24 = tpu.memref_slice %arg15[%mul3A_18] : memref<81920xf32, #tpu.memory_space<vmem_shared>> -> memref<5120xf32, #tpu.memory_space<vmem_shared>>
      tpu.wait_dma2 semaphore(%run_scoped3A : memref<!tpu.dma_semaphore, #tpu.memory_space<semaphore_mem>>) src(%dma_wait3A_24 : memref<5120xf32, #tpu.memory_space<vmem_shared>>) dst(%dma_wait3A_23 : memref<5120xf32, #tpu.memory_space<hbm>>)
      tpu.yield
    }) : () -> ()
    return
  }
}

module attributes {stable_mosaic.version = 14 : i64} {
  func.func @_edge_body(%arg0: i32, %arg1: memref<1x1x2560xi32, #tpu.memory_space<vmem>>, %arg2: memref<2560x128xf32, #tpu.memory_space<vmem>>, %arg3: memref<2560x128xf32, #tpu.memory_space<vmem>>, %arg4: memref<1x256xf32, #tpu.memory_space<vmem>>, %arg5: memref<1x256xf32, #tpu.memory_space<vmem>>, %arg6: memref<256x128xf32, #tpu.memory_space<vmem>>, %arg7: memref<1x128xf32, #tpu.memory_space<vmem>>, %arg8: memref<128x128xf32, #tpu.memory_space<vmem>>, %arg9: memref<1x128xf32, #tpu.memory_space<vmem>>, %arg10: memref<16x128xf32, #tpu.memory_space<vmem>>, %arg11: memref<128x128xf32, #tpu.memory_space<vmem>>, %arg12: memref<256x128xf32, #tpu.memory_space<vmem>>, %arg13: memref<2560x128xf32, #tpu.memory_space<vmem>>, %arg14: memref<8x2560xf32, #tpu.memory_space<vmem>>) attributes {dimension_semantics = [#tpu.dimension_semantics<arbitrary>], iteration_bounds = array<i64: 125>, scalar_prefetch = 0 : i64, scratch_operands = 0 : i64, tpu.core_type = #tpu.core_type<tc>, window_params = [{transform_indices = @transform_0, window_bounds = array<i64: 1, 1, 2560>}, {transform_indices = @transform_1, window_bounds = array<i64: 2560, 128>}, {transform_indices = @transform_2, window_bounds = array<i64: 2560, 128>}, {pipeline_mode = #tpu.pipeline_mode<synchronous>, transform_indices = @transform_3, window_bounds = array<i64: 1, 256>}, {pipeline_mode = #tpu.pipeline_mode<synchronous>, transform_indices = @transform_4, window_bounds = array<i64: 1, 256>}, {pipeline_mode = #tpu.pipeline_mode<synchronous>, transform_indices = @transform_5, window_bounds = array<i64: 256, 128>}, {pipeline_mode = #tpu.pipeline_mode<synchronous>, transform_indices = @transform_6, window_bounds = array<i64: 1, 128>}, {pipeline_mode = #tpu.pipeline_mode<synchronous>, transform_indices = @transform_7, window_bounds = array<i64: 128, 128>}, {pipeline_mode = #tpu.pipeline_mode<synchronous>, transform_indices = @transform_8, window_bounds = array<i64: 1, 128>}, {pipeline_mode = #tpu.pipeline_mode<synchronous>, transform_indices = @transform_9, window_bounds = array<i64: 16, 128>}, {pipeline_mode = #tpu.pipeline_mode<synchronous>, transform_indices = @transform_10, window_bounds = array<i64: 128, 128>}, {pipeline_mode = #tpu.pipeline_mode<synchronous>, transform_indices = @transform_11, window_bounds = array<i64: 256, 128>}, {transform_indices = @transform_12, window_bounds = array<i64: 2560, 128>}, {transform_indices = @transform_13, window_bounds = array<i64: 8, 2560>}]} {
    %get3A = arith.constant 0 : index
    %get3A_0 = arith.constant 0 : index
    %get3A_1 = vector.load %arg2[%get3A, %get3A_0] : memref<2560x128xf32, #tpu.memory_space<vmem>>, vector<2560x128xf32>
    %get3A_2 = arith.constant 0 : index
    %get3A_3 = arith.constant 0 : index
    %get3A_4 = vector.load %arg3[%get3A_2, %get3A_3] : memref<2560x128xf32, #tpu.memory_space<vmem>>, vector<2560x128xf32>
    %get3A_5 = arith.constant 0 : index
    %get3A_6 = arith.constant 0 : index
    %get3A_7 = arith.constant 0 : index
    %get3A_8 = vector.load %arg1[%get3A_5, %get3A_6, %get3A_7] : memref<1x1x2560xi32, #tpu.memory_space<vmem>>, vector<1x1x2560xi32>
    %get3A_9 = vector.shape_cast %get3A_8 : vector<1x1x2560xi32> to vector<2560xi32>
    %broadcast_in_dim3A = vector.shape_cast %get3A_9 : vector<2560xi32> to vector<2560x1xi32>
    %iota3A = tpu.iota {dimensions = array<i32: 1>} : vector<1x16xi32>
    %eq3A = vector.broadcast %broadcast_in_dim3A : vector<2560x1xi32> to vector<2560x16xi32>
    %eq3A_10 = vector.broadcast %iota3A : vector<1x16xi32> to vector<2560x16xi32>
    %eq3A_11 = arith.cmpi eq, %eq3A, %eq3A_10 : vector<2560x16xi32>
    %convert_element_type3A = arith.extui %eq3A_11 : vector<2560x16xi1> to vector<2560x16xi32>
    %convert_element_type3A_12 = arith.sitofp %convert_element_type3A : vector<2560x16xi32> to vector<2560x16xf32>
    %get3A_13 = arith.constant 0 : index
    %get3A_14 = arith.constant 0 : index
    %get3A_15 = vector.load %arg10[%get3A_13, %get3A_14] : memref<16x128xf32, #tpu.memory_space<vmem>>, vector<16x128xf32>
    %dot_general3A = arith.constant dense<0.000000e+00> : vector<2560x128xf32>
    %dot_general3A_16 = tpu.matmul %convert_element_type3A_12, %get3A_15, %dot_general3A {dimension_numbers = #tpu.dot_dimension_numbers<[1], [0], [0], [1], [0, 0, 1, 1], [], []>, precision = #tpu.contract_precision<fp32>, transpose_lhs_hint = false} : vector<2560x16xf32>, vector<16x128xf32>, vector<2560x128xf32> -> vector<2560x128xf32>
    %concatenate3A = tpu.concatenate %get3A_1, %dot_general3A_16 in 1 : vector<2560x128xf32>, vector<2560x128xf32> -> vector<2560x256xf32>
    %reduce_sum3A = arith.constant dense<0.000000e+00> : vector<2560xf32>
    %reduce_sum3A_17 = vector.multi_reduction <add>, %concatenate3A, %reduce_sum3A [1] : vector<2560x256xf32> to vector<2560xf32>
    %broadcast_in_dim3A_18 = vector.shape_cast %reduce_sum3A_17 : vector<2560xf32> to vector<2560x1xf32>
    %div3A = arith.constant 2.560000e+02 : f32
    %div3A_19 = vector.broadcast %div3A : f32 to vector<2560x1xf32>
    %div3A_20 = arith.divf %broadcast_in_dim3A_18, %div3A_19 : vector<2560x1xf32>
    %sub3A = vector.broadcast %div3A_20 : vector<2560x1xf32> to vector<2560x256xf32>
    %sub3A_21 = arith.subf %concatenate3A, %sub3A : vector<2560x256xf32>
    %integer_pow3A = arith.mulf %sub3A_21, %sub3A_21 : vector<2560x256xf32>
    %reduce_sum3A_22 = arith.constant dense<0.000000e+00> : vector<2560xf32>
    %reduce_sum3A_23 = vector.multi_reduction <add>, %integer_pow3A, %reduce_sum3A_22 [1] : vector<2560x256xf32> to vector<2560xf32>
    %broadcast_in_dim3A_24 = vector.shape_cast %reduce_sum3A_23 : vector<2560xf32> to vector<2560x1xf32>
    %div3A_25 = arith.constant 2.560000e+02 : f32
    %div3A_26 = vector.broadcast %div3A_25 : f32 to vector<2560x1xf32>
    %div3A_27 = arith.divf %broadcast_in_dim3A_24, %div3A_26 : vector<2560x1xf32>
    %sub3A_28 = vector.broadcast %div3A_20 : vector<2560x1xf32> to vector<2560x256xf32>
    %sub3A_29 = arith.subf %concatenate3A, %sub3A_28 : vector<2560x256xf32>
    %add3A = arith.constant 9.99999974E-6 : f32
    %add3A_30 = vector.broadcast %add3A : f32 to vector<2560x1xf32>
    %add3A_31 = arith.addf %div3A_27, %add3A_30 : vector<2560x1xf32>
    %rsqrt3A = math.rsqrt %add3A_31 : vector<2560x1xf32>
    %mul3A = vector.broadcast %rsqrt3A : vector<2560x1xf32> to vector<2560x256xf32>
    %mul3A_32 = arith.mulf %sub3A_29, %mul3A : vector<2560x256xf32>
    %get3A_33 = arith.constant 0 : index
    %get3A_34 = arith.constant 0 : index
    %get3A_35 = vector.load %arg4[%get3A_33, %get3A_34] : memref<1x256xf32, #tpu.memory_space<vmem>>, vector<1x256xf32>
    %mul3A_36 = vector.broadcast %get3A_35 : vector<1x256xf32> to vector<2560x256xf32>
    %mul3A_37 = arith.mulf %mul3A_32, %mul3A_36 : vector<2560x256xf32>
    %get3A_38 = arith.constant 0 : index
    %get3A_39 = arith.constant 0 : index
    %get3A_40 = vector.load %arg5[%get3A_38, %get3A_39] : memref<1x256xf32, #tpu.memory_space<vmem>>, vector<1x256xf32>
    %add3A_41 = vector.broadcast %get3A_40 : vector<1x256xf32> to vector<2560x256xf32>
    %add3A_42 = arith.addf %mul3A_37, %add3A_41 : vector<2560x256xf32>
    %get3A_43 = arith.constant 0 : index
    %get3A_44 = arith.constant 0 : index
    %get3A_45 = vector.load %arg6[%get3A_43, %get3A_44] : memref<256x128xf32, #tpu.memory_space<vmem>>, vector<256x128xf32>
    %dot_general3A_46 = arith.constant dense<0.000000e+00> : vector<2560x128xf32>
    %dot_general3A_47 = tpu.matmul %add3A_42, %get3A_45, %dot_general3A_46 {dimension_numbers = #tpu.dot_dimension_numbers<[1], [0], [0], [1], [0, 0, 1, 1], [], []>, transpose_lhs_hint = false} : vector<2560x256xf32>, vector<256x128xf32>, vector<2560x128xf32> -> vector<2560x128xf32>
    %get3A_48 = arith.constant 0 : index
    %get3A_49 = arith.constant 0 : index
    %get3A_50 = vector.load %arg7[%get3A_48, %get3A_49] : memref<1x128xf32, #tpu.memory_space<vmem>>, vector<1x128xf32>
    %add3A_51 = vector.broadcast %get3A_50 : vector<1x128xf32> to vector<2560x128xf32>
    %add3A_52 = arith.addf %dot_general3A_47, %add3A_51 : vector<2560x128xf32>
    %gt3A = arith.constant 0.000000e+00 : f32
    %gt3A_53 = vector.broadcast %gt3A : f32 to vector<2560x128xf32>
    %gt3A_54 = arith.cmpf ogt, %add3A_52, %gt3A_53 : vector<2560x128xf32>
    %min3A = arith.constant 0.000000e+00 : f32
    %min3A_55 = vector.broadcast %min3A : f32 to vector<2560x128xf32>
    %min3A_56 = arith.minimumf %add3A_52, %min3A_55 : vector<2560x128xf32>
    %exp3A = math.exp %min3A_56 : vector<2560x128xf32>
    %sub3A_57 = arith.constant 1.000000e+00 : f32
    %sub3A_58 = vector.broadcast %sub3A_57 : f32 to vector<2560x128xf32>
    %sub3A_59 = arith.subf %exp3A, %sub3A_58 : vector<2560x128xf32>
    %select_n3A = arith.select %gt3A_54, %add3A_52, %sub3A_59 : vector<2560x128xi1>, vector<2560x128xf32>
    %get3A_60 = arith.constant 0 : index
    %get3A_61 = arith.constant 0 : index
    %get3A_62 = vector.load %arg8[%get3A_60, %get3A_61] : memref<128x128xf32, #tpu.memory_space<vmem>>, vector<128x128xf32>
    %dot_general3A_63 = arith.constant dense<0.000000e+00> : vector<2560x128xf32>
    %dot_general3A_64 = tpu.matmul %select_n3A, %get3A_62, %dot_general3A_63 {dimension_numbers = #tpu.dot_dimension_numbers<[1], [0], [0], [1], [0, 0, 1, 1], [], []>, transpose_lhs_hint = false} : vector<2560x128xf32>, vector<128x128xf32>, vector<2560x128xf32> -> vector<2560x128xf32>
    %get3A_65 = arith.constant 0 : index
    %get3A_66 = arith.constant 0 : index
    %get3A_67 = vector.load %arg9[%get3A_65, %get3A_66] : memref<1x128xf32, #tpu.memory_space<vmem>>, vector<1x128xf32>
    %add3A_68 = vector.broadcast %get3A_67 : vector<1x128xf32> to vector<2560x128xf32>
    %add3A_69 = arith.addf %dot_general3A_64, %add3A_68 : vector<2560x128xf32>
    %add3A_70 = arith.addf %get3A_1, %add3A_69 : vector<2560x128xf32>
    %concatenate3A_71 = tpu.concatenate %add3A_70, %dot_general3A_16 in 1 : vector<2560x128xf32>, vector<2560x128xf32> -> vector<2560x256xf32>
    %get3A_72 = arith.constant 0 : index
    %get3A_73 = arith.constant 0 : index
    %get3A_74 = vector.load %arg12[%get3A_72, %get3A_73] : memref<256x128xf32, #tpu.memory_space<vmem>>, vector<256x128xf32>
    %dot_general3A_75 = arith.constant dense<0.000000e+00> : vector<2560x128xf32>
    %dot_general3A_76 = tpu.matmul %concatenate3A_71, %get3A_74, %dot_general3A_75 {dimension_numbers = #tpu.dot_dimension_numbers<[1], [0], [0], [1], [0, 0, 1, 1], [], []>, transpose_lhs_hint = false} : vector<2560x256xf32>, vector<256x128xf32>, vector<2560x128xf32> -> vector<2560x128xf32>
    %get3A_77 = arith.constant 0 : index
    %get3A_78 = arith.constant 0 : index
    %get3A_79 = vector.load %arg11[%get3A_77, %get3A_78] : memref<128x128xf32, #tpu.memory_space<vmem>>, vector<128x128xf32>
    %dot_general3A_80 = arith.constant dense<0.000000e+00> : vector<2560x128xf32>
    %dot_general3A_81 = tpu.matmul %get3A_4, %get3A_79, %dot_general3A_80 {dimension_numbers = #tpu.dot_dimension_numbers<[1], [0], [0], [1], [0, 0, 1, 1], [], []>, transpose_lhs_hint = false} : vector<2560x128xf32>, vector<128x128xf32>, vector<2560x128xf32> -> vector<2560x128xf32>
    %iota3A_82 = tpu.iota {dimensions = array<i32: 0>} : vector<128x4xi32>
    %jit3A = arith.constant 32 : i32
    %div3A_83 = vector.broadcast %jit3A : i32 to vector<128x4xi32>
    %div3A_84 = arith.divsi %iota3A_82, %div3A_83 : vector<128x4xi32>
    %sign3A = arith.constant 0 : i32
    %sign3A_85 = vector.broadcast %sign3A : i32 to vector<128x4xi32>
    %sign3A_86 = arith.cmpi sgt, %iota3A_82, %sign3A_85 : vector<128x4xi32>
    %sign3A_87 = arith.extui %sign3A_86 : vector<128x4xi1> to vector<128x4xi32>
    %sign3A_88 = arith.constant 0 : i32
    %sign3A_89 = vector.broadcast %sign3A_88 : i32 to vector<128x4xi32>
    %sign3A_90 = arith.cmpi slt, %iota3A_82, %sign3A_89 : vector<128x4xi32>
    %sign3A_91 = arith.extui %sign3A_90 : vector<128x4xi1> to vector<128x4xi32>
    %sign3A_92 = arith.subi %sign3A_87, %sign3A_91 : vector<128x4xi32>
    %sign3A_93 = arith.constant 0 : i32
    %sign3A_94 = arith.cmpi sgt, %jit3A, %sign3A_93 : i32
    %sign3A_95 = arith.extui %sign3A_94 : i1 to i32
    %sign3A_96 = arith.constant 0 : i32
    %sign3A_97 = arith.cmpi slt, %jit3A, %sign3A_96 : i32
    %sign3A_98 = arith.extui %sign3A_97 : i1 to i32
    %sign3A_99 = arith.subi %sign3A_95, %sign3A_98 : i32
    %ne3A = vector.broadcast %sign3A_99 : i32 to vector<128x4xi32>
    %ne3A_100 = arith.cmpi ne, %sign3A_92, %ne3A : vector<128x4xi32>
    %rem3A = vector.broadcast %jit3A : i32 to vector<128x4xi32>
    %rem3A_101 = arith.remsi %iota3A_82, %rem3A : vector<128x4xi32>
    %ne3A_102 = arith.constant 0 : i32
    %ne3A_103 = vector.broadcast %ne3A_102 : i32 to vector<128x4xi32>
    %ne3A_104 = arith.cmpi ne, %rem3A_101, %ne3A_103 : vector<128x4xi32>
    %and3A = arith.andi %ne3A_100, %ne3A_104 : vector<128x4xi1>
    %sub3A_105 = arith.constant 1 : i32
    %sub3A_106 = vector.broadcast %sub3A_105 : i32 to vector<128x4xi32>
    %sub3A_107 = arith.subi %div3A_84, %sub3A_106 : vector<128x4xi32>
    %select_n3A_108 = arith.select %and3A, %sub3A_107, %div3A_84 : vector<128x4xi1>, vector<128x4xi32>
    %iota3A_109 = tpu.iota {dimensions = array<i32: 1>} : vector<128x4xi32>
    %eq3A_110 = arith.cmpi eq, %select_n3A_108, %iota3A_109 : vector<128x4xi32>
    %convert_element_type3A_111 = arith.extui %eq3A_110 : vector<128x4xi1> to vector<128x4xi32>
    %convert_element_type3A_112 = arith.sitofp %convert_element_type3A_111 : vector<128x4xi32> to vector<128x4xf32>
    %mul3A_113 = arith.mulf %dot_general3A_81, %dot_general3A_76 : vector<2560x128xf32>
    %dot_general3A_114 = arith.constant dense<0.000000e+00> : vector<2560x4xf32>
    %dot_general3A_115 = tpu.matmul %mul3A_113, %convert_element_type3A_112, %dot_general3A_114 {dimension_numbers = #tpu.dot_dimension_numbers<[1], [0], [0], [1], [0, 0, 1, 1], [], []>, precision = #tpu.contract_precision<fp32>, transpose_lhs_hint = false} : vector<2560x128xf32>, vector<128x4xf32>, vector<2560x4xf32> -> vector<2560x4xf32>
    %mul3A_116 = arith.constant 0.176776692 : f32
    %mul3A_117 = vector.broadcast %mul3A_116 : f32 to vector<2560x4xf32>
    %mul3A_118 = arith.mulf %dot_general3A_115, %mul3A_117 : vector<2560x4xf32>
    %exp3A_119 = math.exp %mul3A_118 : vector<2560x4xf32>
    %transpose3A = tpu.transpose %convert_element_type3A_112, [1, 0] : vector<128x4xf32> -> vector<4x128xf32>
    %dot_general3A_120 = arith.constant dense<0.000000e+00> : vector<2560x128xf32>
    %dot_general3A_121 = tpu.matmul %exp3A_119, %transpose3A, %dot_general3A_120 {dimension_numbers = #tpu.dot_dimension_numbers<[1], [0], [0], [1], [0, 0, 1, 1], [], []>, precision = #tpu.contract_precision<fp32>, transpose_lhs_hint = false} : vector<2560x4xf32>, vector<4x128xf32>, vector<2560x128xf32> -> vector<2560x128xf32>
    %mul3A_122 = arith.mulf %dot_general3A_121, %add3A_70 : vector<2560x128xf32>
    %swap3A = arith.constant 0 : index
    %swap3A_123 = arith.constant 0 : index
    %swap3A_124 = vector.load %arg13[%swap3A, %swap3A_123] : memref<2560x128xf32, #tpu.memory_space<vmem>>, vector<2560x128xf32>
    tpu.vector_store %arg13[%swap3A, %swap3A_123], %mul3A_122 {strides = array<i32>} : memref<2560x128xf32, #tpu.memory_space<vmem>>, vector<2560x128xf32>,
    %iota3A_125 = tpu.iota {dimensions = array<i32: 0>} : vector<8x4xi32>
    %iota3A_126 = tpu.iota {dimensions = array<i32: 1>} : vector<8x4xi32>
    %eq3A_127 = arith.cmpi eq, %iota3A_125, %iota3A_126 : vector<8x4xi32>
    %convert_element_type3A_128 = arith.extui %eq3A_127 : vector<8x4xi1> to vector<8x4xi32>
    %convert_element_type3A_129 = arith.sitofp %convert_element_type3A_128 : vector<8x4xi32> to vector<8x4xf32>
    %dot_general3A_130 = arith.constant dense<0.000000e+00> : vector<8x2560xf32>
    %dot_general3A_131 = tpu.matmul %convert_element_type3A_129, %exp3A_119, %dot_general3A_130 {dimension_numbers = #tpu.dot_dimension_numbers<[1], [1], [0], [0], [0, 0, 1, 0], [], []>, precision = #tpu.contract_precision<fp32>, transpose_lhs_hint = false} : vector<8x4xf32>, vector<2560x4xf32>, vector<8x2560xf32> -> vector<8x2560xf32>
    %swap3A_132 = arith.constant 0 : index
    %swap3A_133 = arith.constant 0 : index
    %swap3A_134 = vector.load %arg14[%swap3A_132, %swap3A_133] : memref<8x2560xf32, #tpu.memory_space<vmem>>, vector<8x2560xf32>
    tpu.vector_store %arg14[%swap3A_132, %swap3A_133], %dot_general3A_131 {strides = array<i32>} : memref<8x2560xf32, #tpu.memory_space<vmem>>, vector<8x2560xf32>,
    return
  }
  func.func @transform_0(%arg0: i32) -> (i32, i32, i32) {
    %c0_i32 = arith.constant 0 : i32
    %c0_i32_0 = arith.constant 0 : i32
    %c0_i32_1 = arith.constant 0 : i32
    return %arg0, %c0_i32, %c0_i32_0 : i32, i32, i32
  }
  func.func @transform_1(%arg0: i32) -> (i32, i32) {
    %c0_i32 = arith.constant 0 : i32
    %c0_i32_0 = arith.constant 0 : i32
    return %arg0, %c0_i32 : i32, i32
  }
  func.func @transform_2(%arg0: i32) -> (i32, i32) {
    %c0_i32 = arith.constant 0 : i32
    %c0_i32_0 = arith.constant 0 : i32
    return %arg0, %c0_i32 : i32, i32
  }
  func.func @transform_3(%arg0: i32) -> (i32, i32) {
    %c0_i32 = arith.constant 0 : i32
    %c0_i32_0 = arith.constant 0 : i32
    %c0_i32_1 = arith.constant 0 : i32
    return %c0_i32, %c0_i32_0 : i32, i32
  }
  func.func @transform_4(%arg0: i32) -> (i32, i32) {
    %c0_i32 = arith.constant 0 : i32
    %c0_i32_0 = arith.constant 0 : i32
    %c0_i32_1 = arith.constant 0 : i32
    return %c0_i32, %c0_i32_0 : i32, i32
  }
  func.func @transform_5(%arg0: i32) -> (i32, i32) {
    %c0_i32 = arith.constant 0 : i32
    %c0_i32_0 = arith.constant 0 : i32
    %c0_i32_1 = arith.constant 0 : i32
    return %c0_i32, %c0_i32_0 : i32, i32
  }
  func.func @transform_6(%arg0: i32) -> (i32, i32) {
    %c0_i32 = arith.constant 0 : i32
    %c0_i32_0 = arith.constant 0 : i32
    %c0_i32_1 = arith.constant 0 : i32
    return %c0_i32, %c0_i32_0 : i32, i32
  }
  func.func @transform_7(%arg0: i32) -> (i32, i32) {
    %c0_i32 = arith.constant 0 : i32
    %c0_i32_0 = arith.constant 0 : i32
    %c0_i32_1 = arith.constant 0 : i32
    return %c0_i32, %c0_i32_0 : i32, i32
  }
  func.func @transform_8(%arg0: i32) -> (i32, i32) {
    %c0_i32 = arith.constant 0 : i32
    %c0_i32_0 = arith.constant 0 : i32
    %c0_i32_1 = arith.constant 0 : i32
    return %c0_i32, %c0_i32_0 : i32, i32
  }
  func.func @transform_9(%arg0: i32) -> (i32, i32) {
    %c0_i32 = arith.constant 0 : i32
    %c0_i32_0 = arith.constant 0 : i32
    %c0_i32_1 = arith.constant 0 : i32
    return %c0_i32, %c0_i32_0 : i32, i32
  }
  func.func @transform_10(%arg0: i32) -> (i32, i32) {
    %c0_i32 = arith.constant 0 : i32
    %c0_i32_0 = arith.constant 0 : i32
    %c0_i32_1 = arith.constant 0 : i32
    return %c0_i32, %c0_i32_0 : i32, i32
  }
  func.func @transform_11(%arg0: i32) -> (i32, i32) {
    %c0_i32 = arith.constant 0 : i32
    %c0_i32_0 = arith.constant 0 : i32
    %c0_i32_1 = arith.constant 0 : i32
    return %c0_i32, %c0_i32_0 : i32, i32
  }
  func.func @transform_12(%arg0: i32) -> (i32, i32) {
    %c0_i32 = arith.constant 0 : i32
    %c0_i32_0 = arith.constant 0 : i32
    return %arg0, %c0_i32 : i32, i32
  }
  func.func @transform_13(%arg0: i32) -> (i32, i32) {
    %c0_i32 = arith.constant 0 : i32
    %c0_i32_0 = arith.constant 0 : i32
    return %c0_i32, %arg0 : i32, i32
  }
}

module attributes {stable_mosaic.version = 14 : i64} {
  func.func @_final_body(%arg0: i32, %arg1: memref<2048x128xf32, #tpu.memory_space<vmem>>, %arg2: memref<2x2048x128xf32, #tpu.memory_space<vmem>>, %arg3: memref<16x2048xf32, #tpu.memory_space<vmem>>, %arg4: memref<1x128xf32, #tpu.memory_space<vmem>>, %arg5: memref<1x128xf32, #tpu.memory_space<vmem>>, %arg6: memref<2048x128xf32, #tpu.memory_space<vmem>>) attributes {dimension_semantics = [#tpu.dimension_semantics<arbitrary>], iteration_bounds = array<i64: 5>, scalar_prefetch = 0 : i64, scratch_operands = 0 : i64, tpu.core_type = #tpu.core_type<tc>, window_params = [{transform_indices = @transform_0, window_bounds = array<i64: 2048, 128>}, {transform_indices = @transform_1, window_bounds = array<i64: 2, 2048, 128>}, {transform_indices = @transform_2, window_bounds = array<i64: 16, 2048>}, {pipeline_mode = #tpu.pipeline_mode<synchronous>, transform_indices = @transform_3, window_bounds = array<i64: 1, 128>}, {pipeline_mode = #tpu.pipeline_mode<synchronous>, transform_indices = @transform_4, window_bounds = array<i64: 1, 128>}, {transform_indices = @transform_5, window_bounds = array<i64: 2048, 128>}]} {
    %get3A = arith.constant 0 : index
    %get3A_0 = arith.constant 0 : index
    %get3A_1 = arith.constant 0 : index
    %get3A_2 = vector.load %arg2[%get3A, %get3A_0, %get3A_1] : memref<2x2048x128xf32, #tpu.memory_space<vmem>>, vector<1x2048x128xf32>
    %get3A_3 = vector.shape_cast %get3A_2 : vector<1x2048x128xf32> to vector<2048x128xf32>
    %get3A_4 = arith.constant 1 : index
    %get3A_5 = arith.constant 0 : index
    %get3A_6 = arith.constant 0 : index
    %get3A_7 = vector.load %arg2[%get3A_4, %get3A_5, %get3A_6] : memref<2x2048x128xf32, #tpu.memory_space<vmem>>, vector<1x2048x128xf32>
    %get3A_8 = vector.shape_cast %get3A_7 : vector<1x2048x128xf32> to vector<2048x128xf32>
    %add3A = arith.addf %get3A_3, %get3A_8 : vector<2048x128xf32>
    %get3A_9 = arith.constant 0 : index
    %get3A_10 = arith.constant 0 : index
    %get3A_11 = vector.load %arg3[%get3A_9, %get3A_10] : memref<16x2048xf32, #tpu.memory_space<vmem>>, vector<16x2048xf32>
    %iota3A = tpu.iota {dimensions = array<i32: 0>} : vector<16x128xi32>
    %jit3A = arith.constant 8 : i32
    %eq3A = arith.constant 0 : i32
    %eq3A_12 = arith.cmpi eq, %jit3A, %eq3A : i32
    %jit3A_13 = arith.constant 1 : i32
    %select_n3A = arith.select %eq3A_12, %jit3A_13, %jit3A : i32
    %rem3A = vector.broadcast %select_n3A : i32 to vector<16x128xi32>
    %rem3A_14 = arith.remsi %iota3A, %rem3A : vector<16x128xi32>
    %ne3A = arith.constant 0 : i32
    %ne3A_15 = vector.broadcast %ne3A : i32 to vector<16x128xi32>
    %ne3A_16 = arith.cmpi ne, %rem3A_14, %ne3A_15 : vector<16x128xi32>
    %lt3A = arith.constant 0 : i32
    %lt3A_17 = vector.broadcast %lt3A : i32 to vector<16x128xi32>
    %lt3A_18 = arith.cmpi slt, %rem3A_14, %lt3A_17 : vector<16x128xi32>
    %lt3A_19 = arith.constant 0 : i32
    %lt3A_20 = arith.cmpi slt, %select_n3A, %lt3A_19 : i32
    %ne3A_21 = vector.broadcast %lt3A_20 : i1 to vector<16x128xi1>
    %ne3A_22 = vector.broadcast %ne3A_21 : vector<16x128xi1> to vector<16x128xi1>
    %ne3A_23 = arith.xori %lt3A_18, %ne3A_22 : vector<16x128xi1>
    %and3A = arith.andi %ne3A_23, %ne3A_16 : vector<16x128xi1>
    %add3A_24 = vector.broadcast %select_n3A : i32 to vector<16x128xi32>
    %add3A_25 = arith.addi %rem3A_14, %add3A_24 : vector<16x128xi32>
    %select_n3A_26 = arith.select %and3A, %add3A_25, %rem3A_14 : vector<16x128xi1>, vector<16x128xi32>
    %iota3A_27 = tpu.iota {dimensions = array<i32: 1>} : vector<16x128xi32>
    %jit3A_28 = arith.constant 32 : i32
    %div3A = vector.broadcast %jit3A_28 : i32 to vector<16x128xi32>
    %div3A_29 = arith.divsi %iota3A_27, %div3A : vector<16x128xi32>
    %sign3A = arith.constant 0 : i32
    %sign3A_30 = vector.broadcast %sign3A : i32 to vector<16x128xi32>
    %sign3A_31 = arith.cmpi sgt, %iota3A_27, %sign3A_30 : vector<16x128xi32>
    %sign3A_32 = arith.extui %sign3A_31 : vector<16x128xi1> to vector<16x128xi32>
    %sign3A_33 = arith.constant 0 : i32
    %sign3A_34 = vector.broadcast %sign3A_33 : i32 to vector<16x128xi32>
    %sign3A_35 = arith.cmpi slt, %iota3A_27, %sign3A_34 : vector<16x128xi32>
    %sign3A_36 = arith.extui %sign3A_35 : vector<16x128xi1> to vector<16x128xi32>
    %sign3A_37 = arith.subi %sign3A_32, %sign3A_36 : vector<16x128xi32>
    %sign3A_38 = arith.constant 0 : i32
    %sign3A_39 = arith.cmpi sgt, %jit3A_28, %sign3A_38 : i32
    %sign3A_40 = arith.extui %sign3A_39 : i1 to i32
    %sign3A_41 = arith.constant 0 : i32
    %sign3A_42 = arith.cmpi slt, %jit3A_28, %sign3A_41 : i32
    %sign3A_43 = arith.extui %sign3A_42 : i1 to i32
    %sign3A_44 = arith.subi %sign3A_40, %sign3A_43 : i32
    %ne3A_45 = vector.broadcast %sign3A_44 : i32 to vector<16x128xi32>
    %ne3A_46 = arith.cmpi ne, %sign3A_37, %ne3A_45 : vector<16x128xi32>
    %rem3A_47 = vector.broadcast %jit3A_28 : i32 to vector<16x128xi32>
    %rem3A_48 = arith.remsi %iota3A_27, %rem3A_47 : vector<16x128xi32>
    %ne3A_49 = arith.constant 0 : i32
    %ne3A_50 = vector.broadcast %ne3A_49 : i32 to vector<16x128xi32>
    %ne3A_51 = arith.cmpi ne, %rem3A_48, %ne3A_50 : vector<16x128xi32>
    %and3A_52 = arith.andi %ne3A_46, %ne3A_51 : vector<16x128xi1>
    %sub3A = arith.constant 1 : i32
    %sub3A_53 = vector.broadcast %sub3A : i32 to vector<16x128xi32>
    %sub3A_54 = arith.subi %div3A_29, %sub3A_53 : vector<16x128xi32>
    %select_n3A_55 = arith.select %and3A_52, %sub3A_54, %div3A_29 : vector<16x128xi1>, vector<16x128xi32>
    %eq3A_56 = arith.cmpi eq, %select_n3A_26, %select_n3A_55 : vector<16x128xi32>
    %convert_element_type3A = arith.extui %eq3A_56 : vector<16x128xi1> to vector<16x128xi32>
    %convert_element_type3A_57 = arith.sitofp %convert_element_type3A : vector<16x128xi32> to vector<16x128xf32>
    %dot_general3A = arith.constant dense<0.000000e+00> : vector<2048x128xf32>
    %dot_general3A_58 = tpu.matmul %get3A_11, %convert_element_type3A_57, %dot_general3A {dimension_numbers = #tpu.dot_dimension_numbers<[0], [0], [1], [1], [0, 1, 1, 1], [], []>, precision = #tpu.contract_precision<fp32>, transpose_lhs_hint = false} : vector<16x2048xf32>, vector<16x128xf32>, vector<2048x128xf32> -> vector<2048x128xf32>
    %get3A_59 = arith.constant 0 : index
    %get3A_60 = arith.constant 0 : index
    %get3A_61 = vector.load %arg1[%get3A_59, %get3A_60] : memref<2048x128xf32, #tpu.memory_space<vmem>>, vector<2048x128xf32>
    %add3A_62 = arith.constant 9.99999971E-10 : f32
    %add3A_63 = vector.broadcast %add3A_62 : f32 to vector<2048x128xf32>
    %add3A_64 = arith.addf %dot_general3A_58, %add3A_63 : vector<2048x128xf32>
    %div3A_65 = arith.divf %add3A, %add3A_64 : vector<2048x128xf32>
    %add3A_66 = arith.addf %get3A_61, %div3A_65 : vector<2048x128xf32>
    %reduce_sum3A = arith.constant dense<0.000000e+00> : vector<2048xf32>
    %reduce_sum3A_67 = vector.multi_reduction <add>, %add3A_66, %reduce_sum3A [1] : vector<2048x128xf32> to vector<2048xf32>
    %broadcast_in_dim3A = vector.shape_cast %reduce_sum3A_67 : vector<2048xf32> to vector<2048x1xf32>
    %div3A_68 = arith.constant 1.280000e+02 : f32
    %div3A_69 = vector.broadcast %div3A_68 : f32 to vector<2048x1xf32>
    %div3A_70 = arith.divf %broadcast_in_dim3A, %div3A_69 : vector<2048x1xf32>
    %sub3A_71 = vector.broadcast %div3A_70 : vector<2048x1xf32> to vector<2048x128xf32>
    %sub3A_72 = arith.subf %add3A_66, %sub3A_71 : vector<2048x128xf32>
    %integer_pow3A = arith.mulf %sub3A_72, %sub3A_72 : vector<2048x128xf32>
    %reduce_sum3A_73 = arith.constant dense<0.000000e+00> : vector<2048xf32>
    %reduce_sum3A_74 = vector.multi_reduction <add>, %integer_pow3A, %reduce_sum3A_73 [1] : vector<2048x128xf32> to vector<2048xf32>
    %broadcast_in_dim3A_75 = vector.shape_cast %reduce_sum3A_74 : vector<2048xf32> to vector<2048x1xf32>
    %div3A_76 = arith.constant 1.280000e+02 : f32
    %div3A_77 = vector.broadcast %div3A_76 : f32 to vector<2048x1xf32>
    %div3A_78 = arith.divf %broadcast_in_dim3A_75, %div3A_77 : vector<2048x1xf32>
    %sub3A_79 = vector.broadcast %div3A_70 : vector<2048x1xf32> to vector<2048x128xf32>
    %sub3A_80 = arith.subf %add3A_66, %sub3A_79 : vector<2048x128xf32>
    %add3A_81 = arith.constant 9.99999974E-6 : f32
    %add3A_82 = vector.broadcast %add3A_81 : f32 to vector<2048x1xf32>
    %add3A_83 = arith.addf %div3A_78, %add3A_82 : vector<2048x1xf32>
    %rsqrt3A = math.rsqrt %add3A_83 : vector<2048x1xf32>
    %mul3A = vector.broadcast %rsqrt3A : vector<2048x1xf32> to vector<2048x128xf32>
    %mul3A_84 = arith.mulf %sub3A_80, %mul3A : vector<2048x128xf32>
    %get3A_85 = arith.constant 0 : index
    %get3A_86 = arith.constant 0 : index
    %get3A_87 = vector.load %arg4[%get3A_85, %get3A_86] : memref<1x128xf32, #tpu.memory_space<vmem>>, vector<1x128xf32>
    %mul3A_88 = vector.broadcast %get3A_87 : vector<1x128xf32> to vector<2048x128xf32>
    %mul3A_89 = arith.mulf %mul3A_84, %mul3A_88 : vector<2048x128xf32>
    %get3A_90 = arith.constant 0 : index
    %get3A_91 = arith.constant 0 : index
    %get3A_92 = vector.load %arg5[%get3A_90, %get3A_91] : memref<1x128xf32, #tpu.memory_space<vmem>>, vector<1x128xf32>
    %add3A_93 = vector.broadcast %get3A_92 : vector<1x128xf32> to vector<2048x128xf32>
    %add3A_94 = arith.addf %mul3A_89, %add3A_93 : vector<2048x128xf32>
    %swap3A = arith.constant 0 : index
    %swap3A_95 = arith.constant 0 : index
    %swap3A_96 = vector.load %arg6[%swap3A, %swap3A_95] : memref<2048x128xf32, #tpu.memory_space<vmem>>, vector<2048x128xf32>
    tpu.vector_store %arg6[%swap3A, %swap3A_95], %add3A_94 {strides = array<i32>} : memref<2048x128xf32, #tpu.memory_space<vmem>>, vector<2048x128xf32>,
    return
  }
  func.func @transform_0(%arg0: i32) -> (i32, i32) {
    %c0_i32 = arith.constant 0 : i32
    %c0_i32_0 = arith.constant 0 : i32
    return %arg0, %c0_i32 : i32, i32
  }
  func.func @transform_1(%arg0: i32) -> (i32, i32, i32) {
    %c0_i32 = arith.constant 0 : i32
    %c0_i32_0 = arith.constant 0 : i32
    %c0_i32_1 = arith.constant 0 : i32
    return %c0_i32, %arg0, %c0_i32_0 : i32, i32, i32
  }
  func.func @transform_2(%arg0: i32) -> (i32, i32) {
    %c0_i32 = arith.constant 0 : i32
    %c0_i32_0 = arith.constant 0 : i32
    return %c0_i32, %arg0 : i32, i32
  }
  func.func @transform_3(%arg0: i32) -> (i32, i32) {
    %c0_i32 = arith.constant 0 : i32
    %c0_i32_0 = arith.constant 0 : i32
    %c0_i32_1 = arith.constant 0 : i32
    return %c0_i32, %c0_i32_0 : i32, i32
  }
  func.func @transform_4(%arg0: i32) -> (i32, i32) {
    %c0_i32 = arith.constant 0 : i32
    %c0_i32_0 = arith.constant 0 : i32
    %c0_i32_1 = arith.constant 0 : i32
    return %c0_i32, %c0_i32_0 : i32, i32
  }
  func.func @transform_5(%arg0: i32) -> (i32, i32) {
    %c0_i32 = arith.constant 0 : i32
    %c0_i32_0 = arith.constant 0 : i32
    return %arg0, %c0_i32 : i32, i32
  }
}

</mosaic_0001>

<sc_bundles>
// kernel: kernel.6.cloned.1.call-start
scs
__scs_entry_jumppad:
0x0: {  	(pc) =	sbr.rel $0x88, $3  }
0x1: {  	(tag) =	ssettag $0x0;
	lr =	simm.s32 $0x1  }
0x2: {  	[smem:$0x3F93] =	sst lr;
	_ =	strace $0xD0000000  }
0x3: {  	_ = 	snop  }
0x4: {  	_ = 	snop  }
0x5: {  	_ = 	snop  }
0x6: {  	_ = 	snop  }
0x7: {  	_ = 	snop  }
__scs_overlays_trampoline_lowered:
0x8: {  	[smem:$0x3FA2] =	sst s0  }
0x9: {  	[smem:$0x3FA3] =	sst s1  }
0xa: {  	[smem:$0x3FA4] =	sst s2  }
0xb: {  	[smem:$0x3FA5] =	sst s3  }
0xc: {  	[smem:$0x3FA6] =	sst s4  }
0xd: {  	[smem:$0x3FA7] =	sst s5  }
0xe: {  	[smem:$0x3FA8] =	sst s6  }
0xf: {  	[smem:$0x3FA9] =	sst s7  }
0x10: {  	[smem:$0x3FAA] =	sst s8  }
0x11: {  	[smem:$0x3FAB] =	sst s9;
	s0 =	simm.s32 @!p0 $0x0  }
0x12: {  	s1 =	sld [smem:$0x3F91];
	s0 =	simm.s32 @p0 $0x1  }
0x13: {  	[smem:$0x3FAC] =	sst s0;
	s0 =	simm.s32 @!p1 $0x0  }
0x14: {  	s2 =	sld [smem:$0x3F90];
	s0 =	simm.s32 @p1 $0x1  }
0x15: {  	[smem:$0x3FAD] =	sst s0;
	s0 =	simm.s32 @!p2 $0x0  }
0x16: {  	s3 =	sld [smem:$0x3FDB];
	s0 =	simm.s32 @p2 $0x1  }
0x17: {  	s4 =	simm.s32 $0x1BF5;
	[smem:$0x3FAF] =	sst s0  }
0x18: {  	s0 =	sld [smem:$0x3F92];
	_ =	swait.ge [sflag:s4], $0x0  }
0x19: {  	s7 =	sld [smem:$0x3F93]  }
0x1a: {  	s8 =	sadd.s32 $0xFFFFE003, lr  }
0x1b: {  	s9 =	sadd.s32 $0xFFFFFEF7, lr;
	s5 =	simm.s32 $0xFFFFFFFF;
	p2 =	slt.u32 s8, $0xFFFFF086  }
0x1c: {  	p1 =	slt.u32 s9, $0xF7A;
	s5 =	simm.s32 @!p2 $0x0  }
0x1d: {  	s5 =	simm.s32 @p1 $0x1;
	p0 =	seq.s32 s7, s2  }
0x1e: {  	s7 =	smul.u32 @!p0 $0xF7A, s2;
	p2 =	seq.s32 @!p0 s5, $0x0  }
0x1f: {  	s9 =	smul.u32 $0xF7A, s1;
	s8 =	simm.s32 @!p0 $0x1BF5;
	p2 =	por !p2, p0  }
0x20: {  	[sflag:s8] =	ssyncset.s32 @!p0 $0xFFFFF086;
	s6 =	sadd.s32 @!p0 s3, s7;
	s7 =	simm.s32 @!p0 $0x108  }
0x21: {  	s3 =	sadd.s32 s3, s9;
	s6 =	sadd.s32 @!p0 $0x88, s6;
	s7 =	simm.s32 @p2 $0x1082  }
0x22: {  	[simem:s7], [sflag:s8] =	dma.local @!p0 [hbm:s6], $0xF7A  }
0x23: {  	s9 =	sor.u32 $0xD0000000, s2;
	s6 =	simm.s32 $0x108;
	_ =	swait.ge @!p0 [sflag:s8], $0x0  }
0x24: {  	s3 =	sadd.s32 $0x88, s3;
	s6 =	simm.s32 @!p1 $0x1082;
	[sflag:s4] =	ssyncset.s32 $0xFFFFF086  }
0x25: {  	[simem:s6], [sflag:s4] =	dma.local [hbm:s3], $0xF7A  }
0x26: {  	[smem:$0x3F93] =	sst s1;
	(tag) =	ssettag s2;
	_ =	strace s9  }
0x27: {  	s1 =	sld [smem:$0x3FA3]  }
0x28: {  	s2 =	sld [smem:$0x3FA4]  }
0x29: {  	s4 =	sld [smem:$0x3FA6]  }
0x2a: {  	p0 =	seq.s32 s5, $0x0;
	s5 =	sld [smem:$0x3FA7]  }
0x2b: {  	s6 =	sld [smem:$0x3FA8]  }
0x2c: {  	s7 =	sld [smem:$0x3FA9]  }
0x2d: {  	s3 =	simm.s32 $0x108;
	s8 =	sld [smem:$0x3FAA]  }
0x2e: {  	s3 =	simm.s32 @!p0 $0x1082;
	s9 =	sld [smem:$0x3FAB]  }
0x2f: {  	lr =	sadd.s32 s0, s3;
	s0 =	sld [smem:$0x3FA2]  }
0x30: {  	s3 =	sld [smem:$0x3FA5]  }
0x31: {  	[smem:$0x3FAE] =	sst s10  }
0x32: {  	s10 =	sld [smem:$0x3FAC];
	_ =	sdelay $0x3  }
0x33: {  	p0 =	seq.s32 s10, $0x1;
	s10 =	sld [smem:$0x3FAE];
	_ =	sdelay $0x3  }
0x34: {  	[smem:$0x3FAE] =	sst s10  }
0x35: {  	s10 =	sld [smem:$0x3FAD];
	_ =	sdelay $0x3  }
0x36: {  	p1 =	seq.s32 s10, $0x1;
	s10 =	sld [smem:$0x3FAE];
	_ =	sdelay $0x3  }
0x37: {  	[smem:$0x3FAE] =	sst s10  }
0x38: {  	s10 =	sld [smem:$0x3FAF]  }
0x39: {  	_ = 	snop;
	(pc) =	sbr.ind lr, $3  }
0x3a: {  	_ = 	snop  }
0x3b: {  	_ = 	snop  }
0x3c: {  	p2 =	seq.s32 s10, $0x1;
	s10 =	sld [smem:$0x3FAE]  }
0x3d: {  	_ =	shalt  }
0x3e: {  	_ =	shalt  }
0x3f: {  	_ =	shalt  }
0x40: {  	_ =	shalt  }
0x41: {  	_ =	shalt  }
0x42: {  	_ =	shalt  }
0x43: {  	_ =	shalt  }
0x44: {  	_ =	shalt  }
0x45: {  	_ =	shalt  }
0x46: {  	_ =	shalt  }
0x47: {  	_ =	shalt  }
0x48: {  	_ =	shalt  }
0x49: {  	_ =	shalt  }
0x4a: {  	_ =	shalt  }
0x4b: {  	_ =	shalt  }
0x4c: {  	_ =	shalt  }
0x4d: {  	_ =	shalt  }
0x4e: {  	_ =	shalt  }
0x4f: {  	_ =	shalt  }
0x50: {  	_ =	shalt  }
0x51: {  	_ =	shalt  }
0x52: {  	_ =	shalt  }
0x53: {  	_ =	shalt  }
0x54: {  	_ =	shalt  }
0x55: {  	_ =	shalt  }
0x56: {  	_ =	shalt  }
0x57: {  	_ =	shalt  }
0x58: {  	_ =	shalt  }
0x59: {  	_ =	shalt  }
0x5a: {  	_ =	shalt  }
0x5b: {  	_ =	shalt  }
0x5c: {  	_ =	shalt  }
0x5d: {  	_ =	shalt  }
0x5e: {  	_ =	shalt  }
0x5f: {  	_ =	shalt  }
0x60: {  	_ =	shalt  }
0x61: {  	_ =	shalt  }
0x62: {  	_ =	shalt  }
0x63: {  	_ =	shalt  }
0x64: {  	_ =	shalt  }
0x65: {  	_ =	shalt  }
0x66: {  	_ =	shalt  }
0x67: {  	_ =	shalt  }
0x68: {  	_ =	shalt  }
0x69: {  	_ =	shalt  }
0x6a: {  	_ =	shalt  }
0x6b: {  	_ =	shalt  }
0x6c: {  	_ =	shalt  }
0x6d: {  	_ =	shalt  }
0x6e: {  	_ =	shalt  }
0x6f: {  	_ =	shalt  }
0x70: {  	_ =	shalt  }
0x71: {  	_ =	shalt  }
0x72: {  	_ =	shalt  }
0x73: {  	_ =	shalt  }
0x74: {  	_ =	shalt  }
0x75: {  	_ =	shalt  }
0x76: {  	_ =	shalt  }
0x77: {  	_ =	shalt  }
0x78: {  	_ =	shalt  }
0x79: {  	_ =	shalt  }
0x7a: {  	_ =	shalt  }
0x7b: {  	_ =	shalt  }
0x7c: {  	_ =	shalt  }
0x7d: {  	_ =	shalt  }
0x7e: {  	_ =	shalt  }
0x7f: {  	_ =	shalt  }
0x80: {  	_ =	shalt  }
0x81: {  	_ =	shalt  }
0x82: {  	_ =	shalt  }
0x83: {  	_ =	shalt  }
0x84: {  	_ =	shalt  }
0x85: {  	_ =	shalt  }
0x86: {  	_ =	shalt  }
0x87: {  	_ =	shalt  }
.Lfunc_end0:
.L_simem_size_0:
called_computation_lowered:
.L_overlay_start_0:
0x88: {  	s2 =	sld [smem:$0x3FD9]  }
0x89: {  	s3 =	sld [smem:$0x3FFE];
	_ =	sdelay $0x1  }
0x8a: {  	s1 =	srdreg.scid  }
0x8b: {  	s0 =	sand.u32 $0x1, s1  }
0x8c: {  	s17 =	sshll.u32 s0, $0xA;
	s2 =	sadd.s32 s3, s2  }
0x8d: {  	s2 =	sadd.s32 s2, s17  }
0x8e: {  	[smem:$0x3FBA] =	sst s2  }
0x8f: {  	_ = 	snop  }
0x90: {  	s2 =	sld [smem:$0x3FC9]  }
0x91: {  	s18 =	sld [smem:$0x3FD0];
	(tm) =	ssettm $0x1  }
0x92: {  	s4 =	sld [smem:$0x3FFB];
	_ =	sdelay $0x3  }
0x93: {  	_ =	strace s4  }
0x94: {  	s4 =	sld [smem:$0x3FFC];
	_ =	sdelay $0x3  }
0x95: {  	_ =	strace s4  }
0x96: {  	s4 =	sld [smem:$0x3FFD];
	_ =	sdelay $0x3  }
0x97: {  	_ =	strace s4  }
0x98: {  	_ =	strace $0x8FFFFFFF  }
0x99: {  	s19 =	sld [smem:$0x3FDB];
	_ =	sdelay $0x1  }
0x9a: {  	s5 =	simm.s32 $_scs_section_size  }
0x9b: {  	s6 =	simm.s32 $_size__tile_overlayer_lowered;
	s7 =	simm.s32 $_tile_overlayer_lowered  }
0x9c: {  	s22 =	simm.s32 $0x1BFF;
	s21 =	sshll.u32 s7, $0x1;
	s4 =	sadd.s32 s5, s19  }
0x9d: {  	s8 =	simm.s32 $0x0;
	s20 =	sshll.u32 s6, $0x1;
	s6 =	sadd.s32 s21, s4  }
0x9e: {  	[timem:s8], [sflag:s22] =	dma.local [hbm:s6], s20  }
0x9f: {  	_ =	swait.ge [sflag:s22], s20  }
0xa0: {  	s5 =	ssub.s32 $0x0, s20;
	[sflag:s22] =	ssyncset.done $0x0  }
0xa1: {  	[sflag:s22] =	ssyncadd.s32 s5;
	_ =	sdelay $0x1  }
0xa2: {  	s23 =	simm.s32 $0x1B8B  }
0xa3: {  	_ =	swait.ge [sflag:s23], $0x1  }
0xa4: {  	[sflag:s23] =	ssyncset.done $0x0  }
0xa5: {  	s25 =	simm.s32 $0x1B8E;
	s24 =	sld [smem:$0x3FFE];
	[sflag:s23] =	ssyncadd.s32 $0xFFFFFFFF  }
0xa6: {  	s26 =	simm.s32 $execute0_lowered;
	[smem:$0x3FD2] =	sst s25  }
0xa7: {  	s6 =	sshll.u32 s26, $0x1;
	_ =	strace $0x80000046;
	[dreg:$0x1] =	wrdreg $0xFFFFFFFF  }
0xa8: {  	s28 =	simm.s32 $_size_execute0_lowered;
	s4 =	sadd.s32 s4, s6;
	[dreg:$0x0] =	wrdreg $0x0  }
0xa9: {  	s6 =	sshll.u32 s28, $0x1;
	[dreg:$0x2] =	wrdreg s4  }
0xaa: {  	[dreg:$0x3] =	wrdreg s6  }
0xab: {  	[dreg:$0x4] =	wrdreg $0xC0  }
0xac: {  	_ =	task [dreg:s8], $0x5FFFF  }
0xad: {  	[dreg:$0x1] =	wrdreg $0xFFFFFFFF  }
0xae: {  	[dreg:$0x0] =	wrdreg $0x60  }
0xaf: {  	[dreg:$0x2] =	wrdreg s2  }
0xb0: {  	[dreg:$0x3] =	wrdreg s18  }
0xb1: {  	[dreg:$0x4] =	wrdreg s24  }
0xb2: {  	[dreg:$0x5] =	wrdreg $0x9  }
0xb3: {  	_ =	task.clear_ibuf [dreg:s8], $0x6FFFF;
	_ =	strace $0x90000046  }
0xb4: {  	s29 =	simm.s32 $0x9;
	_ =	strace $0x80000048  }
0xb5: {  	_ =	swait.ge [sflag:s29], $0x1  }
0xb6: {  	[sflag:s29] =	ssyncadd.s32 $0xFFFFFFFF  }
0xb7: {  	_ =	strace $0x90000048  }
0xb8: {  	_ =	sfence  }
0xb9: {  	s30 =	sld [smem:$0x0];
	_ =	sdelay $0x2  }
0xba: {  	s31 =	sshll.u32 s1, $0xD;
	s1 =	sshrl.u32 s1, $0x2  }
0xbb: {  	s3 =	sand.u32 $0x4000, s31;
	s1 =	sadd.s32 s1, s30  }
0xbc: {  	s0 =	sor.u32 s3, s0;
	s1 =	sshll.u32 s1, $0x11  }
0xbd: {  	s0 =	sor.u32 s1, s0  }
0xbe: {  	s0 =	sadd.s32 $0x8F2B, s0  }
0xbf: {  	[sflag:s0] =	ssyncadd.remote.s32 $0x1  }
0xc0: {  	_ =	sfence.sel $0xFFFF  }
0xc1: {  	[dreg:$0x0] =	wrdreg $0xFFFFFFFF;
	(pc) =	sbr.abs _section_cstart, $3  }
0xc2: {  	[dreg:$0x1] =	wrdreg $0xFFFFFFFF  }
0xc3: {  	_ =	task.clear_ibuf [dreg:s8], $0x2FFFF;
	_ =	strace $0x9FFFFFFF  }
0xc4: {  	(tm) =	ssettm $0x7FFFFFFF  }
0xc5: {  	_ =	shalt  }
tec
execute0_lowered:
.L_overlay_start_1:
0x0: {  	(tag) =	ssettag $0x1  }
0x1: {  	s1 =	rddreg [dreg:$0x0]  }
0x2: {  	s8 =	rddreg [dreg:$0x1]  }
0x3: {  	s4 =	rddreg [dreg:$0x2];
	s2 =	srdreg.scid  }
0x4: {  	s0 =	rddreg [dreg:$0x3];
	s5 =	sand.u32 $0x1, s2  }
0x5: {  	s2 =	stileid.u32;
	s6 =	smul.u32 $0x27100, s5  }
0x6: {  	s3 =	simm.s32 $0x0;
	s12 =	simm.s32 $0x1;
	s7 =	smul.u32 $0x2710, s2  }
0x7: {  	s13 =	simm.s32 $0x0;
	[smem:$0x7FF] =	sst s3;
	s9 =	smul.u32 $0x271000, s5  }
0x8: {  	_ =	strace $0x80000047;
	s5 =	ssub.s32 $0x2, s5;
	s10 =	smul.u32 $0x27100, s2  }
0x9: {  	s29 =	sshrl.u32 s5, $0x1;
	s6 =	sadd.s32 s7, s6;
	s30 =	sadd.s32 s9, s4  }
0xa: {  	s5 =	ssub.s32 s5, s29;
	s9 =	simm.s32 $0x2;
	s11 =	sshrl.u32 s6, $0x3  }
0xb: {  	s6 =	sadd.s32 s10, s30;
	s10 =	simm.s32 $0x50;
	s31 =	sadd.s32 s11, s4  }
0xc: {  	s4 =	smax.u32 s5, $0x1;
	s5 =	sadd.s32 $0xCC00, s6;
	s6 =	sadd.s32 $0x4EEC00, s6  }
0xd: {  	s8 =	sadd.s32 s11, s8;
	s11 =	simm.s32 $0x80;
	s7 =	sadd.s32 $0x2E00, s31  }
.LBB2_1:
0xe: {  	s14 =	sadd.s32 $0x0, s8  }
0xf: {  	[tilespmem:s3], [sflag:$0x2] =	stream.linear.gather [hbm4b:s14+s3], $0x50, $0x38;
	[tilespmem:$0x2880] =	vst v63  }
0x10: {  	_ =	swait.ge [sflag:s9], $0x50  }
0x11: {  	[sflag:s9] =	ssyncset.done $0x0  }
0x12: {  	[sflag:s9] =	ssyncadd.s32 $0xFFFFFFB0  }
0x13: {  	[tilespmem:s11], [sflag:$0x1] =	stream.indirect.gather [hbm4b:s1+s10], $0x80, s3, s10, $0xb8;
	[tilespmem:$0x2880] =	vst v63  }
0x14: {  	_ =	swait.ge [sflag:s12], $0x2800  }
0x15: {  	[sflag:s12] =	ssyncset.done $0x0  }
0x16: {  	[sflag:s12] =	ssyncadd.s32 $0xFFFFD800  }
0x17: {  	[hbm4b:s5+s3] =	stream.linear.scatter [tilespmem:s11], [sflag:$0x2], $0x2800, $0x38;
	[tilespmem:$0x2880] =	vst v63  }
0x18: {  	_ =	swait.ge [sflag:s9], $0x2800  }
0x19: {  	[sflag:s9] =	ssyncset.done $0x0  }
0x1a: {  	s31 =	sadd.s32 $0x0, s7;
	[sflag:s9] =	ssyncadd.s32 $0xFFFFD800  }
0x1b: {  	[tilespmem:s3], [sflag:$0x2] =	stream.linear.gather [hbm4b:s31+s3], $0x50, $0x38;
	[tilespmem:$0x2880] =	vst v63  }
0x1c: {  	_ =	swait.ge [sflag:s9], $0x50  }
0x1d: {  	[sflag:s9] =	ssyncset.done $0x0  }
0x1e: {  	[sflag:s9] =	ssyncadd.s32 $0xFFFFFFB0  }
0x1f: {  	[tilespmem:s11], [sflag:$0x1] =	stream.indirect.gather [hbm4b:s1+s10], $0x80, s3, s10, $0xb8;
	[tilespmem:$0x2880] =	vst v63  }
0x20: {  	_ =	swait.ge [sflag:s12], $0x2800  }
0x21: {  	[sflag:s12] =	ssyncset.done $0x0  }
0x22: {  	[sflag:s12] =	ssyncadd.s32 $0xFFFFD800  }
0x23: {  	[hbm4b:s6+s3] =	stream.linear.scatter [tilespmem:s11], [sflag:$0x2], $0x2800, $0x38;
	[tilespmem:$0x2880] =	vst v63  }
0x24: {  	s15 =	simm.s32 $0xA;
	s17 =	simm.s32 $0x14;
	_ =	swait.ge [sflag:s9], $0x2800  }
0x25: {  	s16 =	sadd.s32 $0x500, s5;
	s14 =	sadd.s32 $0x500, s6;
	[sflag:s9] =	ssyncset.done $0x0  }
.LBB2_2:
0x26: {  	s18 =	sadd.s32 s15, s8  }
0x27: {  	[sflag:s9] =	ssyncadd.s32 $0xFFFFD800;
	s19 =	smov.u32 s17;
	s20 =	sadd.s32 $0xA, s17  }
0x28: {  	[tilespmem:s3], [sflag:$0x2] =	stream.linear.gather [hbm4b:s18+s3], $0x50, $0x38;
	[tilespmem:$0x2880] =	vst v63  }
0x29: {  	p0 =	sne.s32 s17, $0x4D8;
	_ =	swait.ge [sflag:s9], $0x50  }
0x2a: {  	[sflag:s9] =	ssyncset.done $0x0  }
0x2b: {  	[sflag:s9] =	ssyncadd.s32 $0xFFFFFFB0  }
0x2c: {  	[tilespmem:s11], [sflag:$0x1] =	stream.indirect.gather [hbm4b:s1+s10], $0x80, s3, s10, $0xb8;
	[tilespmem:$0x2880] =	vst v63  }
0x2d: {  	_ =	swait.ge [sflag:s12], $0x2800  }
0x2e: {  	[sflag:s12] =	ssyncset.done $0x0  }
0x2f: {  	[sflag:s12] =	ssyncadd.s32 $0xFFFFD800  }
0x30: {  	[hbm4b:s16+s3] =	stream.linear.scatter [tilespmem:s11], [sflag:$0x2], $0x2800, $0x38;
	[tilespmem:$0x2880] =	vst v63  }
0x31: {  	_ =	swait.ge [sflag:s9], $0x2800  }
0x32: {  	[sflag:s9] =	ssyncset.done $0x0  }
0x33: {  	s17 =	sadd.s32 s15, s7;
	s15 =	smov.u32 s19;
	[sflag:s9] =	ssyncadd.s32 $0xFFFFD800  }
0x34: {  	[tilespmem:s3], [sflag:$0x2] =	stream.linear.gather [hbm4b:s17+s3], $0x50, $0x38;
	[tilespmem:$0x2880] =	vst v63  }
0x35: {  	_ =	swait.ge [sflag:s9], $0x50  }
0x36: {  	[sflag:s9] =	ssyncset.done $0x0  }
0x37: {  	[sflag:s9] =	ssyncadd.s32 $0xFFFFFFB0  }
0x38: {  	[tilespmem:s11], [sflag:$0x1] =	stream.indirect.gather [hbm4b:s1+s10], $0x80, s3, s10, $0xb8;
	[tilespmem:$0x2880] =	vst v63  }
0x39: {  	_ =	swait.ge [sflag:s12], $0x2800  }
.Ltmp0:
0x3a: {  	[sflag:s12] =	ssyncset.done $0x0;
	(pc) =	sbr.rel @p0 .LBB2_2-.Ltmp0, $4  }
0x3b: {  	[sflag:s12] =	ssyncadd.s32 $0xFFFFD800  }
0x3c: {  	[hbm4b:s14+s3] =	stream.linear.scatter [tilespmem:s11], [sflag:$0x2], $0x2800, $0x38;
	[tilespmem:$0x2880] =	vst v63  }
0x3d: {  	s16 =	sadd.s32 $0x500, s16;
	_ =	swait.ge [sflag:s9], $0x2800  }
0x3e: {  	s17 =	smov.u32 s20;
	s14 =	sadd.s32 $0x500, s14;
	[sflag:s9] =	ssyncset.done $0x0  }
0x3f: {  	s17 =	sadd.s32 s15, s8;
	[sflag:s9] =	ssyncadd.s32 $0xFFFFD800  }
0x40: {  	[tilespmem:s3], [sflag:$0x2] =	stream.linear.gather [hbm4b:s17+s3], $0x50, $0x38;
	[tilespmem:$0x2880] =	vst v63  }
0x41: {  	_ =	swait.ge [sflag:s9], $0x50  }
0x42: {  	[sflag:s9] =	ssyncset.done $0x0  }
0x43: {  	[sflag:s9] =	ssyncadd.s32 $0xFFFFFFB0  }
0x44: {  	[tilespmem:s11], [sflag:$0x1] =	stream.indirect.gather [hbm4b:s1+s10], $0x80, s3, s10, $0xb8;
	[tilespmem:$0x2880] =	vst v63  }
0x45: {  	_ =	swait.ge [sflag:s12], $0x2800  }
0x46: {  	[sflag:s12] =	ssyncset.done $0x0  }
0x47: {  	[sflag:s12] =	ssyncadd.s32 $0xFFFFD800  }
0x48: {  	[hbm4b:s16+s3] =	stream.linear.scatter [tilespmem:s11], [sflag:$0x2], $0x2800, $0x38;
	[tilespmem:$0x2880] =	vst v63  }
0x49: {  	_ =	swait.ge [sflag:s9], $0x2800  }
0x4a: {  	[sflag:s9] =	ssyncset.done $0x0  }
0x4b: {  	s31 =	sadd.s32 s15, s7;
	[sflag:s9] =	ssyncadd.s32 $0xFFFFD800  }
0x4c: {  	[tilespmem:s3], [sflag:$0x2] =	stream.linear.gather [hbm4b:s31+s3], $0x50, $0x38;
	[tilespmem:$0x2880] =	vst v63  }
0x4d: {  	_ =	swait.ge [sflag:s9], $0x50  }
0x4e: {  	[sflag:s9] =	ssyncset.done $0x0  }
0x4f: {  	[sflag:s9] =	ssyncadd.s32 $0xFFFFFFB0  }
0x50: {  	[tilespmem:s11], [sflag:$0x1] =	stream.indirect.gather [hbm4b:s1+s10], $0x80, s3, s10, $0xb8;
	[tilespmem:$0x2880] =	vst v63  }
0x51: {  	s13 =	sadd.s32 $0x1, s13;
	_ =	swait.ge [sflag:s12], $0x2800  }
0x52: {  	p0 =	sne.s32 s13, s4;
	[sflag:s12] =	ssyncset.done $0x0  }
.Ltmp1:
0x53: {  	[sflag:s12] =	ssyncadd.s32 $0xFFFFD800;
	(pc) =	sbr.rel @p0 .LBB2_1-.Ltmp1, $4  }
0x54: {  	[hbm4b:s14+s3] =	stream.linear.scatter [tilespmem:s11], [sflag:$0x2], $0x2800, $0x38;
	[tilespmem:$0x2880] =	vst v63  }
0x55: {  	_ =	swait.ge [sflag:s9], $0x2800  }
0x56: {  	[sflag:s9] =	ssyncset.done $0x0  }
0x57: {  	[sflag:s9] =	ssyncadd.s32 $0xFFFFD800  }
0x58: {  	_ =	sfence.sel $0x180000  }
0x59: {  	[bflag:$0x0] =	sbarrier.arrive $0xFFFF  }
0x5a: {  	p0 =	sne.s32 s2, $0x0;
	_ =	strace $0x90000047  }
0x5b: {  	s0 =	sadd.s32 @!p0 $0x100000, s0;
	[bflag:$0x2] =	sbarrier.arrive $0xFFFF  }
0x5c: {  	[sflag:s0] =	ssyncadd.tile.s32 @!p0 $0x1;
	_ =	shalt  }
.Lfunc_end2:
_tile_overlayer_lowered:
.L_overlay_start_2:
0x5d: {  	(tag) =	ssettag $0x2  }
0x5e: {  	s0 =	rddreg [dreg:$0x0];
	s2 =	stileid.u32  }
0x5f: {  	s1 =	rddreg [dreg:$0x1];
	p0 =	sne.s32 s2, $0x0  }
0x60: {  	s3 =	rddreg [dreg:$0x2];
	[bflag:$0x3] =	sbarrier.arrive $0xFFFF;
	s2 =	simm.s32 @!p0 $0x1C02  }
0x61: {  	[timem:s3], [sflag:s2] =	dma.local @!p0 [hbm:s0], s1  }
0x62: {  	s0 =	simm.s32 @!p0 $0x2  }
0x63: {  	_ =	swait.ge @!p0 [sflag:s0], s1  }
0x64: {  	s1 =	ssub.s32 @!p0 $0x0, s1;
	[sflag:s0] =	ssyncset.done @!p0 $0x0  }
0x65: {  	[sflag:s0] =	ssyncadd.s32 @!p0 s1  }
0x66: {  	[bflag:$0x3] =	sbarrier.arrive $0xFFFF  }
0x67: {  	_ =	shalt  }

// kernel: kernel.9.cloned.1.call-start
scs
__scs_entry_jumppad:
0x0: {  	(pc) =	sbr.rel $0x88, $3  }
0x1: {  	(tag) =	ssettag $0x0;
	lr =	simm.s32 $0x1  }
0x2: {  	[smem:$0x3F93] =	sst lr;
	_ =	strace $0xD0000000  }
0x3: {  	_ = 	snop  }
0x4: {  	_ = 	snop  }
0x5: {  	_ = 	snop  }
0x6: {  	_ = 	snop  }
0x7: {  	_ = 	snop  }
__scs_overlays_trampoline_lowered:
0x8: {  	[smem:$0x3FA2] =	sst s0  }
0x9: {  	[smem:$0x3FA3] =	sst s1  }
0xa: {  	[smem:$0x3FA4] =	sst s2  }
0xb: {  	[smem:$0x3FA5] =	sst s3  }
0xc: {  	[smem:$0x3FA6] =	sst s4  }
0xd: {  	[smem:$0x3FA7] =	sst s5  }
0xe: {  	[smem:$0x3FA8] =	sst s6  }
0xf: {  	[smem:$0x3FA9] =	sst s7  }
0x10: {  	[smem:$0x3FAA] =	sst s8  }
0x11: {  	[smem:$0x3FAB] =	sst s9;
	s0 =	simm.s32 @!p0 $0x0  }
0x12: {  	s1 =	sld [smem:$0x3F91];
	s0 =	simm.s32 @p0 $0x1  }
0x13: {  	[smem:$0x3FAC] =	sst s0;
	s0 =	simm.s32 @!p1 $0x0  }
0x14: {  	s2 =	sld [smem:$0x3F90];
	s0 =	simm.s32 @p1 $0x1  }
0x15: {  	[smem:$0x3FAD] =	sst s0;
	s0 =	simm.s32 @!p2 $0x0  }
0x16: {  	s3 =	sld [smem:$0x3FDB];
	s0 =	simm.s32 @p2 $0x1  }
0x17: {  	s4 =	simm.s32 $0x1BF5;
	[smem:$0x3FAF] =	sst s0  }
0x18: {  	s0 =	sld [smem:$0x3F92];
	_ =	swait.ge [sflag:s4], $0x0  }
0x19: {  	s7 =	sld [smem:$0x3F93]  }
0x1a: {  	s8 =	sadd.s32 $0xFFFFE003, lr  }
0x1b: {  	s9 =	sadd.s32 $0xFFFFFEF7, lr;
	s5 =	simm.s32 $0xFFFFFFFF;
	p2 =	slt.u32 s8, $0xFFFFF086  }
0x1c: {  	p1 =	slt.u32 s9, $0xF7A;
	s5 =	simm.s32 @!p2 $0x0  }
0x1d: {  	s5 =	simm.s32 @p1 $0x1;
	p0 =	seq.s32 s7, s2  }
0x1e: {  	s7 =	smul.u32 @!p0 $0xF7A, s2;
	p2 =	seq.s32 @!p0 s5, $0x0  }
0x1f: {  	s9 =	smul.u32 $0xF7A, s1;
	s8 =	simm.s32 @!p0 $0x1BF5;
	p2 =	por !p2, p0  }
0x20: {  	[sflag:s8] =	ssyncset.s32 @!p0 $0xFFFFF086;
	s6 =	sadd.s32 @!p0 s3, s7;
	s7 =	simm.s32 @!p0 $0x108  }
0x21: {  	s3 =	sadd.s32 s3, s9;
	s6 =	sadd.s32 @!p0 $0x88, s6;
	s7 =	simm.s32 @p2 $0x1082  }
0x22: {  	[simem:s7], [sflag:s8] =	dma.local @!p0 [hbm:s6], $0xF7A  }
0x23: {  	s9 =	sor.u32 $0xD0000000, s2;
	s6 =	simm.s32 $0x108;
	_ =	swait.ge @!p0 [sflag:s8], $0x0  }
0x24: {  	s3 =	sadd.s32 $0x88, s3;
	s6 =	simm.s32 @!p1 $0x1082;
	[sflag:s4] =	ssyncset.s32 $0xFFFFF086  }
0x25: {  	[simem:s6], [sflag:s4] =	dma.local [hbm:s3], $0xF7A  }
0x26: {  	[smem:$0x3F93] =	sst s1;
	(tag) =	ssettag s2;
	_ =	strace s9  }
0x27: {  	s1 =	sld [smem:$0x3FA3]  }
0x28: {  	s2 =	sld [smem:$0x3FA4]  }
0x29: {  	s4 =	sld [smem:$0x3FA6]  }
0x2a: {  	p0 =	seq.s32 s5, $0x0;
	s5 =	sld [smem:$0x3FA7]  }
0x2b: {  	s6 =	sld [smem:$0x3FA8]  }
0x2c: {  	s7 =	sld [smem:$0x3FA9]  }
0x2d: {  	s3 =	simm.s32 $0x108;
	s8 =	sld [smem:$0x3FAA]  }
0x2e: {  	s3 =	simm.s32 @!p0 $0x1082;
	s9 =	sld [smem:$0x3FAB]  }
0x2f: {  	lr =	sadd.s32 s0, s3;
	s0 =	sld [smem:$0x3FA2]  }
0x30: {  	s3 =	sld [smem:$0x3FA5]  }
0x31: {  	[smem:$0x3FAE] =	sst s10  }
0x32: {  	s10 =	sld [smem:$0x3FAC];
	_ =	sdelay $0x3  }
0x33: {  	p0 =	seq.s32 s10, $0x1;
	s10 =	sld [smem:$0x3FAE];
	_ =	sdelay $0x3  }
0x34: {  	[smem:$0x3FAE] =	sst s10  }
0x35: {  	s10 =	sld [smem:$0x3FAD];
	_ =	sdelay $0x3  }
0x36: {  	p1 =	seq.s32 s10, $0x1;
	s10 =	sld [smem:$0x3FAE];
	_ =	sdelay $0x3  }
0x37: {  	[smem:$0x3FAE] =	sst s10  }
0x38: {  	s10 =	sld [smem:$0x3FAF]  }
0x39: {  	_ = 	snop;
	(pc) =	sbr.ind lr, $3  }
0x3a: {  	_ = 	snop  }
0x3b: {  	_ = 	snop  }
0x3c: {  	p2 =	seq.s32 s10, $0x1;
	s10 =	sld [smem:$0x3FAE]  }
0x3d: {  	_ =	shalt  }
0x3e: {  	_ =	shalt  }
0x3f: {  	_ =	shalt  }
0x40: {  	_ =	shalt  }
0x41: {  	_ =	shalt  }
0x42: {  	_ =	shalt  }
0x43: {  	_ =	shalt  }
0x44: {  	_ =	shalt  }
0x45: {  	_ =	shalt  }
0x46: {  	_ =	shalt  }
0x47: {  	_ =	shalt  }
0x48: {  	_ =	shalt  }
0x49: {  	_ =	shalt  }
0x4a: {  	_ =	shalt  }
0x4b: {  	_ =	shalt  }
0x4c: {  	_ =	shalt  }
0x4d: {  	_ =	shalt  }
0x4e: {  	_ =	shalt  }
0x4f: {  	_ =	shalt  }
0x50: {  	_ =	shalt  }
0x51: {  	_ =	shalt  }
0x52: {  	_ =	shalt  }
0x53: {  	_ =	shalt  }
0x54: {  	_ =	shalt  }
0x55: {  	_ =	shalt  }
0x56: {  	_ =	shalt  }
0x57: {  	_ =	shalt  }
0x58: {  	_ =	shalt  }
0x59: {  	_ =	shalt  }
0x5a: {  	_ =	shalt  }
0x5b: {  	_ =	shalt  }
0x5c: {  	_ =	shalt  }
0x5d: {  	_ =	shalt  }
0x5e: {  	_ =	shalt  }
0x5f: {  	_ =	shalt  }
0x60: {  	_ =	shalt  }
0x61: {  	_ =	shalt  }
0x62: {  	_ =	shalt  }
0x63: {  	_ =	shalt  }
0x64: {  	_ =	shalt  }
0x65: {  	_ =	shalt  }
0x66: {  	_ =	shalt  }
0x67: {  	_ =	shalt  }
0x68: {  	_ =	shalt  }
0x69: {  	_ =	shalt  }
0x6a: {  	_ =	shalt  }
0x6b: {  	_ =	shalt  }
0x6c: {  	_ =	shalt  }
0x6d: {  	_ =	shalt  }
0x6e: {  	_ =	shalt  }
0x6f: {  	_ =	shalt  }
0x70: {  	_ =	shalt  }
0x71: {  	_ =	shalt  }
0x72: {  	_ =	shalt  }
0x73: {  	_ =	shalt  }
0x74: {  	_ =	shalt  }
0x75: {  	_ =	shalt  }
0x76: {  	_ =	shalt  }
0x77: {  	_ =	shalt  }
0x78: {  	_ =	shalt  }
0x79: {  	_ =	shalt  }
0x7a: {  	_ =	shalt  }
0x7b: {  	_ =	shalt  }
0x7c: {  	_ =	shalt  }
0x7d: {  	_ =	shalt  }
0x7e: {  	_ =	shalt  }
0x7f: {  	_ =	shalt  }
0x80: {  	_ =	shalt  }
0x81: {  	_ =	shalt  }
0x82: {  	_ =	shalt  }
0x83: {  	_ =	shalt  }
0x84: {  	_ =	shalt  }
0x85: {  	_ =	shalt  }
0x86: {  	_ =	shalt  }
0x87: {  	_ =	shalt  }
.Lfunc_end0:
.L_simem_size_0:
called_computation.1_lowered:
.L_overlay_start_0:
0x88: {  	s2 =	sld [smem:$0x3FD9]  }
0x89: {  	s3 =	sld [smem:$0x3FFE];
	_ =	sdelay $0x1  }
0x8a: {  	s1 =	srdreg.scid  }
0x8b: {  	s0 =	sand.u32 $0x1, s1  }
0x8c: {  	s17 =	sshll.u32 s0, $0xA;
	s2 =	sadd.s32 s3, s2  }
0x8d: {  	s2 =	sadd.s32 s2, s17  }
0x8e: {  	[smem:$0x3FBA] =	sst s2  }
0x8f: {  	_ = 	snop  }
0x90: {  	s2 =	sld [smem:$0x3FD0];
	(tm) =	ssettm $0x1  }
0x91: {  	s18 =	sld [smem:$0x3FFB];
	_ =	sdelay $0x3  }
0x92: {  	_ =	strace s18  }
0x93: {  	s3 =	sld [smem:$0x3FFC];
	_ =	sdelay $0x3  }
0x94: {  	_ =	strace s3  }
0x95: {  	s3 =	sld [smem:$0x3FFD];
	_ =	sdelay $0x3  }
0x96: {  	_ =	strace s3  }
0x97: {  	_ =	strace $0x8FFFFFFF  }
0x98: {  	s19 =	sld [smem:$0x3FDB];
	_ =	sdelay $0x1  }
0x99: {  	s4 =	simm.s32 $_scs_section_size  }
0x9a: {  	s5 =	simm.s32 $_size__tile_overlayer_lowered;
	s6 =	simm.s32 $_tile_overlayer_lowered  }
0x9b: {  	s22 =	simm.s32 $0x1BFF;
	s21 =	sshll.u32 s6, $0x1;
	s3 =	sadd.s32 s4, s19  }
0x9c: {  	s7 =	simm.s32 $0x0;
	s20 =	sshll.u32 s5, $0x1;
	s5 =	sadd.s32 s21, s3  }
0x9d: {  	[timem:s7], [sflag:s22] =	dma.local [hbm:s5], s20  }
0x9e: {  	_ =	swait.ge [sflag:s22], s20  }
0x9f: {  	s4 =	ssub.s32 $0x0, s20;
	[sflag:s22] =	ssyncset.done $0x0  }
0xa0: {  	[sflag:s22] =	ssyncadd.s32 s4;
	_ =	sdelay $0x1  }
0xa1: {  	s23 =	simm.s32 $0x1B8B  }
0xa2: {  	_ =	swait.ge [sflag:s23], $0x1  }
0xa3: {  	[sflag:s23] =	ssyncset.done $0x0  }
0xa4: {  	s25 =	simm.s32 $0x1B8E;
	s24 =	sld [smem:$0x3FFE];
	[sflag:s23] =	ssyncadd.s32 $0xFFFFFFFF  }
0xa5: {  	s26 =	simm.s32 $execute0_lowered;
	[smem:$0x3FD2] =	sst s25  }
0xa6: {  	s5 =	sshll.u32 s26, $0x1;
	_ =	strace $0x80000049;
	[dreg:$0x1] =	wrdreg $0xFFFFFFFF  }
0xa7: {  	s28 =	simm.s32 $_size_execute0_lowered;
	s3 =	sadd.s32 s3, s5;
	[dreg:$0x0] =	wrdreg $0x0  }
0xa8: {  	s5 =	sshll.u32 s28, $0x1;
	[dreg:$0x2] =	wrdreg s3  }
0xa9: {  	[dreg:$0x3] =	wrdreg s5  }
0xaa: {  	[dreg:$0x4] =	wrdreg $0xC0  }
0xab: {  	_ =	task [dreg:s7], $0x5FFFF  }
0xac: {  	[dreg:$0x1] =	wrdreg $0xFFFFFFFF  }
0xad: {  	[dreg:$0x0] =	wrdreg $0x60  }
0xae: {  	[dreg:$0x2] =	wrdreg s24  }
0xaf: {  	[dreg:$0x3] =	wrdreg s2  }
0xb0: {  	[dreg:$0x4] =	wrdreg $0x45800  }
0xb1: {  	[dreg:$0x5] =	wrdreg $0x185800  }
0xb2: {  	[dreg:$0x6] =	wrdreg $0x9  }
0xb3: {  	_ =	task.clear_ibuf [dreg:s7], $0x7FFFF;
	_ =	strace $0x90000049  }
0xb4: {  	s29 =	simm.s32 $0x9;
	_ =	strace $0x8000004B  }
0xb5: {  	_ =	swait.ge [sflag:s29], $0x1  }
0xb6: {  	[sflag:s29] =	ssyncadd.s32 $0xFFFFFFFF  }
0xb7: {  	_ =	strace $0x9000004B  }
0xb8: {  	_ =	sfence  }
0xb9: {  	s30 =	sld [smem:$0x0];
	_ =	sdelay $0x2  }
0xba: {  	s31 =	sshll.u32 s1, $0xD;
	s1 =	sshrl.u32 s1, $0x2  }
0xbb: {  	s3 =	sand.u32 $0x4000, s31;
	s1 =	sadd.s32 s1, s30  }
0xbc: {  	s0 =	sor.u32 s3, s0;
	s1 =	sshll.u32 s1, $0x11  }
0xbd: {  	s0 =	sor.u32 s1, s0  }
0xbe: {  	s0 =	sadd.s32 $0x8F2B, s0  }
0xbf: {  	[sflag:s0] =	ssyncadd.remote.s32 $0x1  }
0xc0: {  	_ =	sfence.sel $0xFFFF  }
0xc1: {  	[dreg:$0x0] =	wrdreg $0xFFFFFFFF;
	(pc) =	sbr.abs _section_cstart, $3  }
0xc2: {  	[dreg:$0x1] =	wrdreg $0xFFFFFFFF  }
0xc3: {  	_ =	task.clear_ibuf [dreg:s7], $0x2FFFF;
	_ =	strace $0x9FFFFFFF  }
0xc4: {  	(tm) =	ssettm $0x7FFFFFFF  }
0xc5: {  	_ =	shalt  }
tec
execute0_lowered:
.L_overlay_start_1:
0x0: {  	(tag) =	ssettag $0x1  }
0x1: {  	s7 =	rddreg [dreg:$0x0]  }
0x2: {  	s12 =	rddreg [dreg:$0x1]  }
0x3: {  	s1 =	rddreg [dreg:$0x2]  }
0x4: {  	s2 =	rddreg [dreg:$0x3];
	s3 =	srdreg.scid  }
0x5: {  	s0 =	rddreg [dreg:$0x4];
	s10 =	sand.u32 $0x1, s3  }
0x6: {  	s4 =	simm.s32 $0x0;
	s3 =	stileid.u32;
	s6 =	smul.u32 $0x140000, s10  }
0x7: {  	[smem:$0x7FF] =	sst s4;
	s16 =	sadd.s32 $0x2E00, s7;
	s8 =	smul.u32 $0x14000, s3  }
0x8: {  	s14 =	sadd.s32 $0x9D0C00, s7;
	s15 =	sadd.s32 $0xCC00, s7;
	s17 =	smul.u32 $0x50000, s3  }
0x9: {  	s5 =	sadd.s32 $0x5AE00, s7;
	_ =	strace $0x8000004A;
	s20 =	smul.u32 $0x5000, s3  }
0xa: {  	s9 =	ssub.s32 $0x2, s10;
	s13 =	sshll.u32 s10, $0x4;
	s25 =	smul.u32 $0x2800, s3  }
0xb: {  	s21 =	sshll.u32 s3, $0x7;
	s22 =	sshll.u32 s3, $0x6;
	s28 =	smul.u32 $0x27000, s10  }
0xc: {  	s29 =	smul.u32 $0x27000, s3;
	s11 =	sshrl.u32 s9, $0x1;
	s24 =	sor.u32 s3, s13  }
0xd: {  	s23 =	sor.u32 $0x4E000, s21;
	s21 =	sshll.u32 s10, $0x7;
	s8 =	sadd.s32 s8, s6  }
0xe: {  	s6 =	sadd.s32 $0x5D600, s7;
	s19 =	ssub.s32 s9, s11;
	s17 =	sshrl.u32 s17, $0x2  }
0xf: {  	s9 =	sshrl.u32 s23, $0x3;
	s26 =	sshll.u32 s23, $0x4;
	s13 =	sor.u32 s21, s25  }
0x10: {  	s21 =	simm.s32 $0x4100;
	p0 =	sgt.u32 s24, $0x3;
	s24 =	simm.s32 $0x20  }
0x11: {  	s25 =	simm.s32 $0x10;
	s8 =	sshrl.u32 s8, $0x3;
	s17 =	sadd.s32 s17, s1  }
0x12: {  	s13 =	sshrl.u32 s13, $0x3;
	s18 =	sadd.s32 s8, s7;
	s7 =	sor.u32 $0x1C01, s22  }
0x13: {  	s8 =	sshrl.u32 s20, $0x2;
	s22 =	smul.u32 $0x270000, s10;
	s10 =	sadd.s32 s15, s23  }
0x14: {  	s23 =	smul.u32 $0x2700, s3;
	s12 =	sadd.s32 s12, s13;
	s13 =	smax.u32 s19, $0x1  }
0x15: {  	s17 =	sshrl.u32 s17, $0x3;
	s20 =	sadd.s32 s8, s2;
	s8 =	sadd.s32 s16, s9  }
.Ltmp0:
0x16: {  	s9 =	sadd.s32 s14, s26;
	s11 =	sadd.s32 $0x5DA00, s18;
	(pc) =	sbr.rel .LBB2_1-.Ltmp0, $4  }
0x17: {  	s18 =	simm.s32 $0x1;
	s26 =	simm.s32 $0x0;
	s14 =	sadd.s32 s22, s14  }
0x18: {  	s30 =	sadd.s32 s23, s28;
	s19 =	sshrl.u32 s20, $0x3;
	s20 =	simm.s32 $0x100  }
0x19: {  	s22 =	simm.s32 $0x80;
	s23 =	simm.s32 $0x4500;
	s31 =	sshrl.u32 s30, $0x3  }
0x1a: {  	s14 =	sadd.s32 s29, s14;
	s15 =	sadd.s32 s15, s30;
	s16 =	sadd.s32 s31, s16  }
.LBB2_5:
0x1b: {  	[bflag:$0x0] =	sbarrier.arrive $0xFFFF  }
0x1c: {  	[hbm:s11], [sflag:s7] =	dma.local [spmem:s17], $0x2800  }
0x1d: {  	s26 =	sadd.s32 $0x1, s26;
	_ =	swait.ge [sflag:s18], $0x2800  }
0x1e: {  	p1 =	sne.s32 s26, s13;
	[sflag:s18] =	ssyncset.done $0x0  }
.Ltmp1:
0x1f: {  	[sflag:s18] =	ssyncadd.s32 $0xFFFFD800;
	(pc) =	sbr.rel @!p1 .LBB2_6-.Ltmp1, $4  }
0x20: {  	[hbm:s12@s24], [sflag:s7] =	dma.strided [spmem:s19@s25], $0x280, s18, $0x10   }
0x21: {  	_ =	swait.ge [sflag:s18], $0x280  }
0x22: {  	[sflag:s18] =	ssyncset.done $0x0  }
0x23: {  	[sflag:s18] =	ssyncadd.s32 $0xFFFFFD80  }
.LBB2_1:
0x24: {  	[spmem:s17], [sflag:s7] =	dma.local [hbm:s5], $0x2800  }
0x25: {  	_ =	swait.ge [sflag:s18], $0x2800  }
0x26: {  	[sflag:s18] =	ssyncset.done $0x0  }
0x27: {  	[sflag:s18] =	ssyncadd.s32 $0xFFFFD800  }
0x28: {  	[spmem:s19], [sflag:s7] =	dma.local [hbm:s6], $0x280  }
0x29: {  	_ =	swait.ge [sflag:s18], $0x280  }
0x2a: {  	[sflag:s18] =	ssyncset.done $0x0  }
0x2b: {  	s28 =	smov.u32 s15;
	[sflag:s18] =	ssyncadd.s32 $0xFFFFFD80  }
0x2c: {  	s29 =	smov.u32 s14;
	s30 =	simm.s32 $0x0;
	[bflag:$0x0] =	sbarrier.arrive $0xFFFF  }
.LBB2_2:
0x2d: {  	s31 =	sadd.s32 s30, s16  }
0x2e: {  	[tilespmem:s4], [sflag:$0x1] =	stream.linear.gather [hbm4b:s31+s4], $0x80, $0x38;
	[tilespmem:$0x19980] =	vst v63  }
0x2f: {  	_ =	swait.ge [sflag:s18], $0x80  }
0x30: {  	[sflag:s18] =	ssyncset.done $0x0  }
0x31: {  	[sflag:s18] =	ssyncadd.s32 $0xFFFFFF80  }
0x32: {  	[tilespmem:s20], [sflag:$0x1] =	stream.linear.gather [hbm4b:s29+s4], $0x4000, $0x38;
	[tilespmem:$0x19980] =	vst v63  }
0x33: {  	_ =	swait.ge [sflag:s18], $0x4000  }
0x34: {  	[sflag:s18] =	ssyncset.done $0x0  }
0x35: {  	[sflag:s18] =	ssyncadd.s32 $0xFFFFC000  }
0x36: {  	[tilespmem:s21], [sflag:$0x1] =	stream.linear.gather [hbm4b:s28+s4], $0x400, $0x38;
	[tilespmem:$0x19980] =	vst v63  }
0x37: {  	_ =	swait.ge [sflag:s18], $0x400  }
0x38: {  	[sflag:s18] =	ssyncset.done $0x0  }
0x39: {  	[sflag:s18] =	ssyncadd.s32 $0xFFFFFC00  }
0x3a: {  	[spmem:s1] =	stream.indirect.scatter.add.f32 [tilespmem:s20], [sflag:$0x1], $0x80, s4, s22, $0xb8;
	[tilespmem:$0x19980] =	vst v63  }
0x3b: {  	_ =	swait.ge [sflag:s18], $0x4000  }
0x3c: {  	[sflag:s18] =	ssyncset.done $0x0  }
0x3d: {  	[sflag:s18] =	ssyncadd.s32 $0xFFFFC000  }
0x3e: {  	v0 =	vld [tilespmem:$0x0]  }
0x3f: {  	v1 =	vld [tilespmem:$0x4100]  }
0x40: {  	v2 =	vld [tilespmem:$0x10]  }
0x41: {  	v3 =	vld [tilespmem:$0x4110]  }
0x42: {  	v4 =	vld [tilespmem:$0x20]  }
0x43: {  	v54 =	vld [tilespmem:$0x4120];
	[tilespmem:$0x80] =	vst v0  }
0x44: {  	v55 =	vld [tilespmem:$0x30];
	[tilespmem:$0x4500] =	vst v1  }
0x45: {  	v56 =	vld [tilespmem:$0x4130];
	[tilespmem:$0x90] =	vst v2  }
0x46: {  	v57 =	vld [tilespmem:$0x40];
	[tilespmem:$0x4510] =	vst v3  }
0x47: {  	v58 =	vld [tilespmem:$0x4140];
	[tilespmem:$0xA0] =	vst v4  }
0x48: {  	v59 =	vld [tilespmem:$0x50];
	[tilespmem:$0x4520] =	vst v54  }
0x49: {  	v60 =	vld [tilespmem:$0x4150];
	[tilespmem:$0xB0] =	vst v55  }
0x4a: {  	v61 =	vld [tilespmem:$0x60];
	[tilespmem:$0x4530] =	vst v56  }
0x4b: {  	v62 =	vld [tilespmem:$0x4160];
	[tilespmem:$0xC0] =	vst v57  }
0x4c: {  	v63 =	vld [tilespmem:$0x70];
	[tilespmem:$0x4540] =	vst v58  }
0x4d: {  	v7 =	vld [tilespmem:$0x4170];
	[tilespmem:$0xD0] =	vst v59  }
0x4e: {  	[tilespmem:$0x4550] =	vst v60  }
0x4f: {  	[tilespmem:$0xE0] =	vst v61  }
0x50: {  	[tilespmem:$0x4560] =	vst v62  }
0x51: {  	[tilespmem:$0xF0] =	vst v63  }
0x52: {  	[tilespmem:$0x4570] =	vst v7  }
0x53: {  	[spmem:s2] =	stream.indirect.scatter.add.f32 [tilespmem:s23], [sflag:$0x1], $0x1, s22, s22, $0xb8;
	[tilespmem:$0x19980] =	vst v63  }
0x54: {  	_ =	swait.ge [sflag:s18], $0x80  }
0x55: {  	[sflag:s18] =	ssyncset.done $0x0  }
0x56: {  	[sflag:s18] =	ssyncadd.s32 $0xFFFFFF80  }
0x57: {  	v8 =	vld [tilespmem:$0x0]  }
0x58: {  	v9 =	vld [tilespmem:$0x4180]  }
0x59: {  	v11 =	vld [tilespmem:$0x4190]  }
0x5a: {  	v5 =	vld [tilespmem:$0x41A0]  }
0x5b: {  	v15 =	vld [tilespmem:$0x41B0]  }
0x5c: {  	v18 =	vld [tilespmem:$0x41C0]  }
0x5d: {  	v20 =	vld [tilespmem:$0x41D0];
	[tilespmem:$0x4500] =	vst v9  }
0x5e: {  	v22 =	vld [tilespmem:$0x41E0];
	[tilespmem:$0x4510] =	vst v11  }
0x5f: {  	v24 =	vld [tilespmem:$0x41F0];
	[tilespmem:$0x4520] =	vst v5  }
0x60: {  	v10 =	vld [tilespmem:$0x10];
	[tilespmem:$0x4530] =	vst v15  }
0x61: {  	v12 =	vld [tilespmem:$0x20];
	[tilespmem:$0x4540] =	vst v18  }
0x62: {  	v16 =	vld [tilespmem:$0x40];
	[tilespmem:$0x4550] =	vst v20  }
0x63: {  	v19 =	vld [tilespmem:$0x50];
	[tilespmem:$0x4560] =	vst v22  }
0x64: {  	v23 =	vld [tilespmem:$0x70];
	v0 =	vadd.s32 $0x2800, v8;
	[tilespmem:$0x4570] =	vst v24  }
0x65: {  	v13 =	vld [tilespmem:$0x30];
	v14 =	vadd.s32 $0x2800, v10;
	[tilespmem:$0x80] =	vst v0  }
0x66: {  	v21 =	vld [tilespmem:$0x60];
	v17 =	vadd.s32 $0x2800, v12;
	[tilespmem:$0x90] =	vst v14  }
0x67: {  	v1 =	vadd.s32 $0x2800, v16;
	[tilespmem:$0xA0] =	vst v17  }
0x68: {  	v3 =	vadd.s32 $0x2800, v19;
	[tilespmem:$0xC0] =	vst v1  }
0x69: {  	v25 =	vadd.s32 $0x2800, v23;
	[tilespmem:$0xD0] =	vst v3  }
0x6a: {  	v0 =	vadd.s32 $0x2800, v13;
	[tilespmem:$0xF0] =	vst v25  }
0x6b: {  	[tilespmem:$0xB0] =	vst v0;
	v0 =	vadd.s32 $0x2800, v21  }
0x6c: {  	[tilespmem:$0xE0] =	vst v0  }
0x6d: {  	[spmem:s2] =	stream.indirect.scatter.add.f32 [tilespmem:s23], [sflag:$0x1], $0x1, s22, s22, $0xb8;
	[tilespmem:$0x19980] =	vst v63  }
0x6e: {  	_ =	swait.ge [sflag:s18], $0x80  }
0x6f: {  	[sflag:s18] =	ssyncset.done $0x0  }
0x70: {  	[sflag:s18] =	ssyncadd.s32 $0xFFFFFF80  }
0x71: {  	v26 =	vld [tilespmem:$0x0]  }
0x72: {  	v27 =	vld [tilespmem:$0x4200]  }
0x73: {  	v29 =	vld [tilespmem:$0x4210]  }
0x74: {  	v31 =	vld [tilespmem:$0x4220]  }
0x75: {  	v34 =	vld [tilespmem:$0x4230]  }
0x76: {  	v37 =	vld [tilespmem:$0x4240]  }
0x77: {  	v39 =	vld [tilespmem:$0x4250];
	[tilespmem:$0x4500] =	vst v27  }
0x78: {  	v41 =	vld [tilespmem:$0x4260];
	[tilespmem:$0x4510] =	vst v29  }
0x79: {  	v43 =	vld [tilespmem:$0x4270];
	[tilespmem:$0x4520] =	vst v31  }
0x7a: {  	v28 =	vld [tilespmem:$0x10];
	[tilespmem:$0x4530] =	vst v34  }
0x7b: {  	v30 =	vld [tilespmem:$0x20];
	[tilespmem:$0x4540] =	vst v37  }
0x7c: {  	v35 =	vld [tilespmem:$0x40];
	[tilespmem:$0x4550] =	vst v39  }
0x7d: {  	v38 =	vld [tilespmem:$0x50];
	[tilespmem:$0x4560] =	vst v41  }
0x7e: {  	v42 =	vld [tilespmem:$0x70];
	v0 =	vadd.s32 $0x5000, v26;
	[tilespmem:$0x4570] =	vst v43  }
0x7f: {  	v32 =	vld [tilespmem:$0x30];
	v33 =	vadd.s32 $0x5000, v28;
	[tilespmem:$0x80] =	vst v0  }
0x80: {  	v40 =	vld [tilespmem:$0x60];
	v36 =	vadd.s32 $0x5000, v30;
	[tilespmem:$0x90] =	vst v33  }
0x81: {  	v1 =	vadd.s32 $0x5000, v35;
	[tilespmem:$0xA0] =	vst v36  }
0x82: {  	v3 =	vadd.s32 $0x5000, v38;
	[tilespmem:$0xC0] =	vst v1  }
0x83: {  	v44 =	vadd.s32 $0x5000, v42;
	[tilespmem:$0xD0] =	vst v3  }
0x84: {  	v0 =	vadd.s32 $0x5000, v32;
	[tilespmem:$0xF0] =	vst v44  }
0x85: {  	[tilespmem:$0xB0] =	vst v0;
	v0 =	vadd.s32 $0x5000, v40  }
0x86: {  	[tilespmem:$0xE0] =	vst v0  }
0x87: {  	[spmem:s2] =	stream.indirect.scatter.add.f32 [tilespmem:s23], [sflag:$0x1], $0x1, s22, s22, $0xb8;
	[tilespmem:$0x19980] =	vst v63  }
0x88: {  	_ =	swait.ge [sflag:s18], $0x80  }
0x89: {  	[sflag:s18] =	ssyncset.done $0x0  }
0x8a: {  	[sflag:s18] =	ssyncadd.s32 $0xFFFFFF80  }
0x8b: {  	v45 =	vld [tilespmem:$0x0]  }
0x8c: {  	v46 =	vld [tilespmem:$0x4280]  }
0x8d: {  	v48 =	vld [tilespmem:$0x4290]  }
0x8e: {  	v50 =	vld [tilespmem:$0x42A0]  }
0x8f: {  	v53 =	vld [tilespmem:$0x42B0]  }
0x90: {  	v56 =	vld [tilespmem:$0x42C0]  }
0x91: {  	v58 =	vld [tilespmem:$0x42D0];
	[tilespmem:$0x4500] =	vst v46  }
0x92: {  	v60 =	vld [tilespmem:$0x42E0];
	[tilespmem:$0x4510] =	vst v48  }
0x93: {  	v62 =	vld [tilespmem:$0x42F0];
	[tilespmem:$0x4520] =	vst v50  }
0x94: {  	v47 =	vld [tilespmem:$0x10];
	[tilespmem:$0x4530] =	vst v53  }
0x95: {  	v49 =	vld [tilespmem:$0x20];
	[tilespmem:$0x4540] =	vst v56  }
0x96: {  	v54 =	vld [tilespmem:$0x40];
	[tilespmem:$0x4550] =	vst v58  }
0x97: {  	v57 =	vld [tilespmem:$0x50];
	[tilespmem:$0x4560] =	vst v60  }
0x98: {  	v61 =	vld [tilespmem:$0x70];
	v0 =	vadd.s32 $0x7800, v45;
	[tilespmem:$0x4570] =	vst v62  }
0x99: {  	v51 =	vld [tilespmem:$0x30];
	v52 =	vadd.s32 $0x7800, v47;
	[tilespmem:$0x80] =	vst v0  }
0x9a: {  	v59 =	vld [tilespmem:$0x60];
	v55 =	vadd.s32 $0x7800, v49;
	[tilespmem:$0x90] =	vst v52  }
0x9b: {  	v1 =	vadd.s32 $0x7800, v54;
	[tilespmem:$0xA0] =	vst v55  }
0x9c: {  	v3 =	vadd.s32 $0x7800, v57;
	[tilespmem:$0xC0] =	vst v1  }
0x9d: {  	v63 =	vadd.s32 $0x7800, v61;
	[tilespmem:$0xD0] =	vst v3  }
0x9e: {  	v0 =	vadd.s32 $0x7800, v51;
	[tilespmem:$0xF0] =	vst v63  }
0x9f: {  	p1 =	sne.s32 s30, $0x4D0;
	[tilespmem:$0xB0] =	vst v0;
	v0 =	vadd.s32 $0x7800, v59  }
.Ltmp2:
0xa0: {  	[tilespmem:$0xE0] =	vst v0;
	(pc) =	sbr.rel @p1 .LBB2_2-.Ltmp2, $4  }
0xa1: {  	[spmem:s2] =	stream.indirect.scatter.add.f32 [tilespmem:s23], [sflag:$0x1], $0x1, s22, s22, $0xb8;
	[tilespmem:$0x19980] =	vst v63  }
0xa2: {  	_ =	swait.ge [sflag:s18], $0x80  }
0xa3: {  	s30 =	sadd.s32 $0x10, s30;
	[sflag:s18] =	ssyncset.done $0x0  }
0xa4: {  	s29 =	sadd.s32 $0x800, s29;
	s28 =	sadd.s32 $0x80, s28;
	[sflag:s18] =	ssyncadd.s32 $0xFFFFFF80  }
.Ltmp3:
0xa5: {  	(pc) =	sbr.rel @p0 .LBB2_5-.Ltmp3, $1  }
0xa6: {  	_ =	sdelay $0x3  }
0xa7: {  	[tilespmem:s4], [sflag:$0x1] =	stream.linear.gather [hbm4b:s8+s4], $0x80, $0x38;
	[tilespmem:$0x19980] =	vst v63  }
0xa8: {  	_ =	swait.ge [sflag:s18], $0x80  }
0xa9: {  	[sflag:s18] =	ssyncset.done $0x0  }
0xaa: {  	[sflag:s18] =	ssyncadd.s32 $0xFFFFFF80  }
0xab: {  	[tilespmem:s20], [sflag:$0x1] =	stream.linear.gather [hbm4b:s9+s4], $0x4000, $0x38;
	[tilespmem:$0x19980] =	vst v63  }
0xac: {  	_ =	swait.ge [sflag:s18], $0x4000  }
0xad: {  	[sflag:s18] =	ssyncset.done $0x0  }
0xae: {  	[sflag:s18] =	ssyncadd.s32 $0xFFFFC000  }
0xaf: {  	[tilespmem:s21], [sflag:$0x1] =	stream.linear.gather [hbm4b:s10+s4], $0x400, $0x38;
	[tilespmem:$0x19980] =	vst v63  }
0xb0: {  	_ =	swait.ge [sflag:s18], $0x400  }
0xb1: {  	[sflag:s18] =	ssyncset.done $0x0  }
0xb2: {  	[sflag:s18] =	ssyncadd.s32 $0xFFFFFC00  }
0xb3: {  	[spmem:s1] =	stream.indirect.scatter.add.f32 [tilespmem:s20], [sflag:$0x1], $0x80, s4, s22, $0xb8;
	[tilespmem:$0x19980] =	vst v63  }
0xb4: {  	_ =	swait.ge [sflag:s18], $0x4000  }
0xb5: {  	[sflag:s18] =	ssyncset.done $0x0  }
0xb6: {  	[sflag:s18] =	ssyncadd.s32 $0xFFFFC000  }
0xb7: {  	v0 =	vld [tilespmem:$0x0]  }
0xb8: {  	v1 =	vld [tilespmem:$0x4100]  }
0xb9: {  	v2 =	vld [tilespmem:$0x10]  }
0xba: {  	v3 =	vld [tilespmem:$0x4110]  }
0xbb: {  	v4 =	vld [tilespmem:$0x20]  }
0xbc: {  	v54 =	vld [tilespmem:$0x4120];
	[tilespmem:$0x80] =	vst v0  }
0xbd: {  	v55 =	vld [tilespmem:$0x30];
	[tilespmem:$0x4500] =	vst v1  }
0xbe: {  	v56 =	vld [tilespmem:$0x4130];
	[tilespmem:$0x90] =	vst v2  }
0xbf: {  	v57 =	vld [tilespmem:$0x40];
	[tilespmem:$0x4510] =	vst v3  }
0xc0: {  	v58 =	vld [tilespmem:$0x4140];
	[tilespmem:$0xA0] =	vst v4  }
0xc1: {  	v59 =	vld [tilespmem:$0x50];
	[tilespmem:$0x4520] =	vst v54  }
0xc2: {  	v60 =	vld [tilespmem:$0x4150];
	[tilespmem:$0xB0] =	vst v55  }
0xc3: {  	v61 =	vld [tilespmem:$0x60];
	[tilespmem:$0x4530] =	vst v56  }
0xc4: {  	v62 =	vld [tilespmem:$0x4160];
	[tilespmem:$0xC0] =	vst v57  }
0xc5: {  	v63 =	vld [tilespmem:$0x70];
	[tilespmem:$0x4540] =	vst v58  }
0xc6: {  	v7 =	vld [tilespmem:$0x4170];
	[tilespmem:$0xD0] =	vst v59  }
0xc7: {  	[tilespmem:$0x4550] =	vst v60  }
0xc8: {  	[tilespmem:$0xE0] =	vst v61  }
0xc9: {  	[tilespmem:$0x4560] =	vst v62  }
0xca: {  	[tilespmem:$0xF0] =	vst v63  }
0xcb: {  	[tilespmem:$0x4570] =	vst v7  }
0xcc: {  	[spmem:s2] =	stream.indirect.scatter.add.f32 [tilespmem:s23], [sflag:$0x1], $0x1, s22, s22, $0xb8;
	[tilespmem:$0x19980] =	vst v63  }
0xcd: {  	_ =	swait.ge [sflag:s18], $0x80  }
0xce: {  	[sflag:s18] =	ssyncset.done $0x0  }
0xcf: {  	[sflag:s18] =	ssyncadd.s32 $0xFFFFFF80  }
0xd0: {  	v8 =	vld [tilespmem:$0x0]  }
0xd1: {  	v9 =	vld [tilespmem:$0x4180]  }
0xd2: {  	v11 =	vld [tilespmem:$0x4190]  }
0xd3: {  	v5 =	vld [tilespmem:$0x41A0]  }
0xd4: {  	v15 =	vld [tilespmem:$0x41B0]  }
0xd5: {  	v18 =	vld [tilespmem:$0x41C0]  }
0xd6: {  	v20 =	vld [tilespmem:$0x41D0];
	[tilespmem:$0x4500] =	vst v9  }
0xd7: {  	v22 =	vld [tilespmem:$0x41E0];
	[tilespmem:$0x4510] =	vst v11  }
0xd8: {  	v24 =	vld [tilespmem:$0x41F0];
	[tilespmem:$0x4520] =	vst v5  }
0xd9: {  	v10 =	vld [tilespmem:$0x10];
	[tilespmem:$0x4530] =	vst v15  }
0xda: {  	v12 =	vld [tilespmem:$0x20];
	[tilespmem:$0x4540] =	vst v18  }
0xdb: {  	v16 =	vld [tilespmem:$0x40];
	[tilespmem:$0x4550] =	vst v20  }
0xdc: {  	v19 =	vld [tilespmem:$0x50];
	[tilespmem:$0x4560] =	vst v22  }
0xdd: {  	v23 =	vld [tilespmem:$0x70];
	v0 =	vadd.s32 $0x2800, v8;
	[tilespmem:$0x4570] =	vst v24  }
0xde: {  	v13 =	vld [tilespmem:$0x30];
	v14 =	vadd.s32 $0x2800, v10;
	[tilespmem:$0x80] =	vst v0  }
0xdf: {  	v21 =	vld [tilespmem:$0x60];
	v17 =	vadd.s32 $0x2800, v12;
	[tilespmem:$0x90] =	vst v14  }
0xe0: {  	v1 =	vadd.s32 $0x2800, v16;
	[tilespmem:$0xA0] =	vst v17  }
0xe1: {  	v3 =	vadd.s32 $0x2800, v19;
	[tilespmem:$0xC0] =	vst v1  }
0xe2: {  	v25 =	vadd.s32 $0x2800, v23;
	[tilespmem:$0xD0] =	vst v3  }
0xe3: {  	v0 =	vadd.s32 $0x2800, v13;
	[tilespmem:$0xF0] =	vst v25  }
0xe4: {  	[tilespmem:$0xB0] =	vst v0;
	v0 =	vadd.s32 $0x2800, v21  }
0xe5: {  	[tilespmem:$0xE0] =	vst v0  }
0xe6: {  	[spmem:s2] =	stream.indirect.scatter.add.f32 [tilespmem:s23], [sflag:$0x1], $0x1, s22, s22, $0xb8;
	[tilespmem:$0x19980] =	vst v63  }
0xe7: {  	_ =	swait.ge [sflag:s18], $0x80  }
0xe8: {  	[sflag:s18] =	ssyncset.done $0x0  }
0xe9: {  	[sflag:s18] =	ssyncadd.s32 $0xFFFFFF80  }
0xea: {  	v26 =	vld [tilespmem:$0x0]  }
0xeb: {  	v27 =	vld [tilespmem:$0x4200]  }
0xec: {  	v29 =	vld [tilespmem:$0x4210]  }
0xed: {  	v31 =	vld [tilespmem:$0x4220]  }
0xee: {  	v34 =	vld [tilespmem:$0x4230]  }
0xef: {  	v37 =	vld [tilespmem:$0x4240]  }
0xf0: {  	v39 =	vld [tilespmem:$0x4250];
	[tilespmem:$0x4500] =	vst v27  }
0xf1: {  	v41 =	vld [tilespmem:$0x4260];
	[tilespmem:$0x4510] =	vst v29  }
0xf2: {  	v43 =	vld [tilespmem:$0x4270];
	[tilespmem:$0x4520] =	vst v31  }
0xf3: {  	v28 =	vld [tilespmem:$0x10];
	[tilespmem:$0x4530] =	vst v34  }
0xf4: {  	v30 =	vld [tilespmem:$0x20];
	[tilespmem:$0x4540] =	vst v37  }
0xf5: {  	v35 =	vld [tilespmem:$0x40];
	[tilespmem:$0x4550] =	vst v39  }
0xf6: {  	v38 =	vld [tilespmem:$0x50];
	[tilespmem:$0x4560] =	vst v41  }
0xf7: {  	v42 =	vld [tilespmem:$0x70];
	v0 =	vadd.s32 $0x5000, v26;
	[tilespmem:$0x4570] =	vst v43  }
0xf8: {  	v32 =	vld [tilespmem:$0x30];
	v33 =	vadd.s32 $0x5000, v28;
	[tilespmem:$0x80] =	vst v0  }
0xf9: {  	v40 =	vld [tilespmem:$0x60];
	v36 =	vadd.s32 $0x5000, v30;
	[tilespmem:$0x90] =	vst v33  }
0xfa: {  	v1 =	vadd.s32 $0x5000, v35;
	[tilespmem:$0xA0] =	vst v36  }
0xfb: {  	v3 =	vadd.s32 $0x5000, v38;
	[tilespmem:$0xC0] =	vst v1  }
0xfc: {  	v44 =	vadd.s32 $0x5000, v42;
	[tilespmem:$0xD0] =	vst v3  }
0xfd: {  	v0 =	vadd.s32 $0x5000, v32;
	[tilespmem:$0xF0] =	vst v44  }
0xfe: {  	[tilespmem:$0xB0] =	vst v0;
	v0 =	vadd.s32 $0x5000, v40  }
0xff: {  	[tilespmem:$0xE0] =	vst v0  }
0x100: {  	[spmem:s2] =	stream.indirect.scatter.add.f32 [tilespmem:s23], [sflag:$0x1], $0x1, s22, s22, $0xb8;
	[tilespmem:$0x19980] =	vst v63  }
0x101: {  	_ =	swait.ge [sflag:s18], $0x80  }
0x102: {  	[sflag:s18] =	ssyncset.done $0x0  }
0x103: {  	[sflag:s18] =	ssyncadd.s32 $0xFFFFFF80  }
0x104: {  	v45 =	vld [tilespmem:$0x0]  }
0x105: {  	v46 =	vld [tilespmem:$0x4280]  }
0x106: {  	v48 =	vld [tilespmem:$0x4290]  }
0x107: {  	v50 =	vld [tilespmem:$0x42A0]  }
0x108: {  	v53 =	vld [tilespmem:$0x42B0]  }
0x109: {  	v56 =	vld [tilespmem:$0x42C0]  }
0x10a: {  	v58 =	vld [tilespmem:$0x42D0];
	[tilespmem:$0x4500] =	vst v46  }
0x10b: {  	v60 =	vld [tilespmem:$0x42E0];
	[tilespmem:$0x4510] =	vst v48  }
0x10c: {  	v62 =	vld [tilespmem:$0x42F0];
	[tilespmem:$0x4520] =	vst v50  }
0x10d: {  	v47 =	vld [tilespmem:$0x10];
	[tilespmem:$0x4530] =	vst v53  }
0x10e: {  	v49 =	vld [tilespmem:$0x20];
	[tilespmem:$0x4540] =	vst v56  }
0x10f: {  	v54 =	vld [tilespmem:$0x40];
	[tilespmem:$0x4550] =	vst v58  }
0x110: {  	v57 =	vld [tilespmem:$0x50];
	[tilespmem:$0x4560] =	vst v60  }
0x111: {  	v61 =	vld [tilespmem:$0x70];
	v0 =	vadd.s32 $0x7800, v45;
	[tilespmem:$0x4570] =	vst v62  }
0x112: {  	v51 =	vld [tilespmem:$0x30];
	v52 =	vadd.s32 $0x7800, v47;
	[tilespmem:$0x80] =	vst v0  }
0x113: {  	v59 =	vld [tilespmem:$0x60];
	v55 =	vadd.s32 $0x7800, v49;
	[tilespmem:$0x90] =	vst v52  }
0x114: {  	v1 =	vadd.s32 $0x7800, v54;
	[tilespmem:$0xA0] =	vst v55  }
0x115: {  	v3 =	vadd.s32 $0x7800, v57;
	[tilespmem:$0xC0] =	vst v1  }
0x116: {  	v63 =	vadd.s32 $0x7800, v61;
	[tilespmem:$0xD0] =	vst v3  }
0x117: {  	v0 =	vadd.s32 $0x7800, v51;
	[tilespmem:$0xF0] =	vst v63  }
0x118: {  	[tilespmem:$0xB0] =	vst v0;
	v0 =	vadd.s32 $0x7800, v59  }
.Ltmp4:
0x119: {  	[tilespmem:$0xE0] =	vst v0;
	(pc) =	sbr.rel .LBB2_5-.Ltmp4, $4  }
0x11a: {  	[spmem:s2] =	stream.indirect.scatter.add.f32 [tilespmem:s23], [sflag:$0x1], $0x1, s22, s22, $0xb8;
	[tilespmem:$0x19980] =	vst v63  }
0x11b: {  	_ =	swait.ge [sflag:s18], $0x80  }
0x11c: {  	[sflag:s18] =	ssyncset.done $0x0  }
0x11d: {  	[sflag:s18] =	ssyncadd.s32 $0xFFFFFF80  }
.LBB2_6:
0x11e: {  	_ =	sfence.sel $0x180000  }
0x11f: {  	[bflag:$0x0] =	sbarrier.arrive $0xFFFF  }
0x120: {  	p0 =	sne.s32 s3, $0x0;
	_ =	strace $0x9000004A  }
0x121: {  	s0 =	sadd.s32 @!p0 $0x100000, s0;
	[bflag:$0x2] =	sbarrier.arrive $0xFFFF  }
0x122: {  	[sflag:s0] =	ssyncadd.tile.s32 @!p0 $0x1;
	_ =	shalt  }
.Lfunc_end2:
_tile_overlayer_lowered:
.L_overlay_start_2:
0x123: {  	(tag) =	ssettag $0x2  }
0x124: {  	s0 =	rddreg [dreg:$0x0];
	s2 =	stileid.u32  }
0x125: {  	s1 =	rddreg [dreg:$0x1];
	p0 =	sne.s32 s2, $0x0  }
0x126: {  	s3 =	rddreg [dreg:$0x2];
	[bflag:$0x3] =	sbarrier.arrive $0xFFFF;
	s2 =	simm.s32 @!p0 $0x1C01  }
0x127: {  	[timem:s3], [sflag:s2] =	dma.local @!p0 [hbm:s0], s1  }
0x128: {  	s0 =	simm.s32 @!p0 $0x1  }
0x129: {  	_ =	swait.ge @!p0 [sflag:s0], s1  }
0x12a: {  	s1 =	ssub.s32 @!p0 $0x0, s1;
	[sflag:s0] =	ssyncset.done @!p0 $0x0  }
0x12b: {  	[sflag:s0] =	ssyncadd.s32 @!p0 s1  }
0x12c: {  	[bflag:$0x3] =	sbarrier.arrive $0xFFFF  }
0x12d: {  	_ =	shalt  }

</sc_bundles>
